<compile_context>
chip_gen: v7x
topology: tpu7x:2x2x1
jax: 0.10.2.dev20260603
libtpu: 0.0.44.dev20260713+nightly
codegen_flags: <defaults>
</compile_context>

<pallas_src>
import functools

import jax
import jax.numpy as jnp
from jax import lax
from jax.experimental import pallas as pl
from jax.experimental.pallas import tpu as pltpu
from jax.experimental.pallas import tpu_sc as plsc

BATCH = 16384
N_ACTIONS = 64
NW = 32
BPW = BATCH // NW
LANES = 16
CHUNKS = BPW // LANES


def _run(s_hbm, a_hbm, t_hbm, out_hbm, s_v, a_v, gr_v, out_v, sem):
    wid = lax.axis_index("s") * 2 + lax.axis_index("c")
    base = wid * BPW

    stage_s = pltpu.async_copy(s_hbm.at[pl.ds(base, BPW)], s_v, sem)
    stage_a = pltpu.async_copy(a_hbm.at[pl.ds(base, BPW)], a_v, sem)
    stage_s.wait()
    stage_a.wait()

    def fetch_chunk(c, carry):
        sv = s_v[pl.ds(c * LANES, LANES)]
        av = a_v[pl.ds(c * LANES, LANES)]
        gv = sv // LANES
        for k in range(LANES):
            pltpu.async_copy(
                t_hbm.at[av[k], pl.ds(gv[k] * LANES, LANES)],
                gr_v.at[pl.ds((c * LANES + k) * LANES, LANES)], sem)
        return carry

    lax.fori_loop(0, CHUNKS, fetch_chunk, 0)

    pltpu.make_async_copy(
        out_hbm.at[pl.ds(0, BPW * LANES)], gr_v, sem).wait()

    def pick_chunk(c, carry):
        sv = s_v[pl.ds(c * LANES, LANES)]
        flat = (lax.iota(jnp.int32, LANES) + c * LANES) * LANES + sv % LANES
        out_v[pl.ds(c * LANES, LANES)] = plsc.load_gather(gr_v, [flat])
        return carry

    lax.fori_loop(0, CHUNKS, pick_chunk, 0)

    pltpu.sync_copy(out_v, out_hbm.at[pl.ds(base, BPW)])


def kernel(state, action, table):
    s = state.astype(jnp.int32)
    a = action.astype(jnp.int32)
    t = table.T

    mesh = plsc.VectorSubcoreMesh(core_axis_name="c", subcore_axis_name="s")
    run = functools.partial(
        pl.kernel,
        mesh=mesh,
        compiler_params=pltpu.CompilerParams(needs_layout_passes=False),
        out_type=jax.ShapeDtypeStruct((BATCH,), jnp.float32),
        scratch_types=[
            pltpu.VMEM((BPW,), jnp.int32),
            pltpu.VMEM((BPW,), jnp.int32),
            pltpu.VMEM((BPW * LANES,), jnp.float32),
            pltpu.VMEM((BPW,), jnp.float32),
            pltpu.SemaphoreType.DMA,
        ],
    )(_run)
    return run(s, a, t)

# --- scband reference (transcript-rebuilt; emitter-appended) ---
"""Pipeline reference for scband-table-qnet-55714315763797 (READ-ONLY COPY).

The authoritative reference and input builder live on the scoring server;
editing this copy changes nothing except your own understanding.
"""

import jax, jax.numpy as jnp
import numpy as np

N_STATES = 1000000
N_ACTIONS = 64
BATCH = 16384

def setup_inputs(seed: int = 0) -> dict:
    key = jax.random.key(seed)
    k1, k2, k3 = jax.random.split(key, 3)
    state = jax.random.randint(k1, (BATCH,), 0, N_STATES, dtype=jnp.int64 if jax.config.jax_enable_x64 else jnp.int32)
    action = jax.random.randint(k2, (BATCH,), 0, N_ACTIONS, dtype=jnp.int64 if jax.config.jax_enable_x64 else jnp.int32)
    # Learned parameter: Q-table, truncated-normal init (approximated with clipped normal)
    table = jnp.clip(jax.random.normal(k3, (N_STATES, N_ACTIONS), dtype=jnp.float32), -2.0, 2.0)
    return {"state": state, "action": action, "table": table}

def reference(state, action, table):
    # Faithful translation of TableQNet.__call__:
    # jax.vmap(lambda s_, a_: table[s_, a_])(state.astype(int), action.astype(int))
    s = state.astype(jnp.int32)
    a = action.astype(jnp.int32)
    out = jax.vmap(lambda s_, a_: table[s_, a_])(s, a)
    return out

if False:  # reference __main__ guard neutralized (emitter)
    inp = setup_inputs()
    out = reference(**inp)
    print(out.shape, out.dtype)

if __name__ == "__main__":
    import jax
    _d = setup_inputs()
    print(jax.jit(kernel)(*tuple(_d.values())))

</pallas_src>

<mosaic_0001>
#map = affine_map<(d0, d1) -> (0)>
#map1 = affine_map<(d0, d1) -> (0, 0)>
module attributes {stable_mosaic.version = 14 : i64} {
  func.func @_run(%arg0: i32, %arg1: i32, %arg2: memref<16384xi32, #tpu.memory_space<hbm>>, %arg3: memref<16384xi32, #tpu.memory_space<hbm>>, %arg4: memref<64x1000000xf32, #tpu.memory_space<hbm>>, %arg5: memref<16384xf32, #tpu.memory_space<hbm>>, %arg6: memref<512xi32, #tpu.memory_space<vmem>>, %arg7: memref<512xi32, #tpu.memory_space<vmem>>, %arg8: memref<8192xf32, #tpu.memory_space<vmem>>, %arg9: memref<512xf32, #tpu.memory_space<vmem>>, %arg10: memref<!tpu.dma_semaphore, #tpu.memory_space<semaphore_mem>>) attributes {dimension_semantics = [#tpu.dimension_semantics<core_parallel>, #tpu.dimension_semantics<subcore_parallel>], iteration_bounds = array<i64: 2, 16>, scalar_prefetch = 0 : i64, scratch_operands = 5 : i64, tpu.core_type = #tpu.core_type<sc_vector_subcore>, window_params = [{transform_indices = #map}, {transform_indices = #map}, {transform_indices = #map1}, {transform_indices = #map}]} {
    %mul3A = arith.constant 2 : i32
    %mul3A_0 = arith.muli %arg1, %mul3A : i32
    %add3A = arith.addi %mul3A_0, %arg0 : i32
    %mul3A_1 = arith.constant 512 : i32
    %mul3A_2 = arith.muli %add3A, %mul3A_1 : i32
    %dma_start3A = tpu.memref_slice %arg2[%mul3A_2] : memref<16384xi32, #tpu.memory_space<hbm>> -> memref<512xi32, #tpu.memory_space<hbm>>
    %dma_start3A_3 = tpu.memref_slice %arg2[%mul3A_2] : memref<16384xi32, #tpu.memory_space<hbm>> -> memref<512xi32, #tpu.memory_space<hbm>>
    tpu.enqueue_dma source(%dma_start3A_3 : memref<512xi32, #tpu.memory_space<hbm>>) target(%arg6 : memref<512xi32, #tpu.memory_space<vmem>>) target_semaphore(%arg10 : memref<!tpu.dma_semaphore, #tpu.memory_space<semaphore_mem>>)
    %dma_start3A_4 = tpu.memref_slice %arg3[%mul3A_2] : memref<16384xi32, #tpu.memory_space<hbm>> -> memref<512xi32, #tpu.memory_space<hbm>>
    %dma_start3A_5 = tpu.memref_slice %arg3[%mul3A_2] : memref<16384xi32, #tpu.memory_space<hbm>> -> memref<512xi32, #tpu.memory_space<hbm>>
    tpu.enqueue_dma source(%dma_start3A_5 : memref<512xi32, #tpu.memory_space<hbm>>) target(%arg7 : memref<512xi32, #tpu.memory_space<vmem>>) target_semaphore(%arg10 : memref<!tpu.dma_semaphore, #tpu.memory_space<semaphore_mem>>)
    %dma_wait3A = tpu.memref_slice %arg2[%mul3A_2] : memref<16384xi32, #tpu.memory_space<hbm>> -> memref<512xi32, #tpu.memory_space<hbm>>
    %dma_wait3A_6 = tpu.memref_slice %arg2[%mul3A_2] : memref<16384xi32, #tpu.memory_space<hbm>> -> memref<512xi32, #tpu.memory_space<hbm>>
    tpu.wait_dma2 semaphore(%arg10 : memref<!tpu.dma_semaphore, #tpu.memory_space<semaphore_mem>>) src(%dma_wait3A_6 : memref<512xi32, #tpu.memory_space<hbm>>) dst(%arg6 : memref<512xi32, #tpu.memory_space<vmem>>)
    %dma_wait3A_7 = tpu.memref_slice %arg3[%mul3A_2] : memref<16384xi32, #tpu.memory_space<hbm>> -> memref<512xi32, #tpu.memory_space<hbm>>
    %dma_wait3A_8 = tpu.memref_slice %arg3[%mul3A_2] : memref<16384xi32, #tpu.memory_space<hbm>> -> memref<512xi32, #tpu.memory_space<hbm>>
    tpu.wait_dma2 semaphore(%arg10 : memref<!tpu.dma_semaphore, #tpu.memory_space<semaphore_mem>>) src(%dma_wait3A_8 : memref<512xi32, #tpu.memory_space<hbm>>) dst(%arg7 : memref<512xi32, #tpu.memory_space<vmem>>)
    %scan3A = arith.constant 0 : i32
    %scan3A_9 = arith.constant 0 : i32
    %scan3A_10 = arith.constant 32 : i32
    %scan3A_11 = arith.addi %scan3A_9, %scan3A_10 : i32
    %scan3A_12 = arith.constant 1 : i32
    scf.for %scan3A_24 = %scan3A_9 to %scan3A_11 step %scan3A_12  : i32 {
      %mul3A_25 = arith.constant 16 : i32
      %mul3A_26 = arith.muli %scan3A_24, %mul3A_25 : i32
      %get3A = arith.index_cast %mul3A_26 : i32 to index
      %get3A_27 = tpu.vector_load %arg6[%get3A] {strides = array<i32>} : memref<512xi32, #tpu.memory_space<vmem>>, vector<16xi32>,
      %mul3A_28 = arith.constant 16 : i32
      %mul3A_29 = arith.muli %scan3A_24, %mul3A_28 : i32
      %get3A_30 = arith.index_cast %mul3A_29 : i32 to index
      %get3A_31 = tpu.vector_load %arg7[%get3A_30] {strides = array<i32>} : memref<512xi32, #tpu.memory_space<vmem>>, vector<16xi32>,
      %jit3A = arith.constant 16 : i32
      %div3A = vector.broadcast %jit3A : i32 to vector<16xi32>
      %div3A_32 = arith.divsi %get3A_27, %div3A : vector<16xi32>
      %sign3A = arith.constant 0 : i32
      %sign3A_33 = vector.broadcast %sign3A : i32 to vector<16xi32>
      %sign3A_34 = arith.cmpi sgt, %get3A_27, %sign3A_33 : vector<16xi32>
      %sign3A_35 = arith.extui %sign3A_34 : vector<16xi1> to vector<16xi32>
      %sign3A_36 = arith.constant 0 : i32
      %sign3A_37 = vector.broadcast %sign3A_36 : i32 to vector<16xi32>
      %sign3A_38 = arith.cmpi slt, %get3A_27, %sign3A_37 : vector<16xi32>
      %sign3A_39 = arith.extui %sign3A_38 : vector<16xi1> to vector<16xi32>
      %sign3A_40 = arith.subi %sign3A_35, %sign3A_39 : vector<16xi32>
      %sign3A_41 = arith.constant 0 : i32
      %sign3A_42 = arith.cmpi sgt, %jit3A, %sign3A_41 : i32
      %sign3A_43 = arith.extui %sign3A_42 : i1 to i32
      %sign3A_44 = arith.constant 0 : i32
      %sign3A_45 = arith.cmpi slt, %jit3A, %sign3A_44 : i32
      %sign3A_46 = arith.extui %sign3A_45 : i1 to i32
      %sign3A_47 = arith.subi %sign3A_43, %sign3A_46 : i32
      %ne3A = vector.broadcast %sign3A_47 : i32 to vector<16xi32>
      %ne3A_48 = arith.cmpi ne, %sign3A_40, %ne3A : vector<16xi32>
      %rem3A = vector.broadcast %jit3A : i32 to vector<16xi32>
      %rem3A_49 = arith.remsi %get3A_27, %rem3A : vector<16xi32>
      %ne3A_50 = arith.constant 0 : i32
      %ne3A_51 = vector.broadcast %ne3A_50 : i32 to vector<16xi32>
      %ne3A_52 = arith.cmpi ne, %rem3A_49, %ne3A_51 : vector<16xi32>
      %and3A = arith.andi %ne3A_48, %ne3A_52 : vector<16xi1>
      %sub3A = arith.constant 1 : i32
      %sub3A_53 = vector.broadcast %sub3A : i32 to vector<16xi32>
      %sub3A_54 = arith.subi %div3A_32, %sub3A_53 : vector<16xi32>
      %select_n3A = arith.select %and3A, %sub3A_54, %div3A_32 : vector<16xi1>, vector<16xi32>
      %slice3A = vector.extract_strided_slice %get3A_31 {offsets = [0], sizes = [1], strides = [1]} : vector<16xi32> to vector<1xi32>
      %squeeze3A = vector.extract %slice3A[0] : i32 from vector<1xi32>
      %slice3A_55 = vector.extract_strided_slice %select_n3A {offsets = [0], sizes = [1], strides = [1]} : vector<16xi32> to vector<1xi32>
      %squeeze3A_56 = vector.extract %slice3A_55[0] : i32 from vector<1xi32>
      %mul3A_57 = arith.constant 16 : i32
      %mul3A_58 = arith.muli %squeeze3A_56, %mul3A_57 : i32
      %mul3A_59 = arith.constant 16 : i32
      %mul3A_60 = arith.muli %scan3A_24, %mul3A_59 : i32
      %add3A_61 = arith.constant 0 : i32
      %add3A_62 = arith.addi %mul3A_60, %add3A_61 : i32
      %mul3A_63 = arith.constant 16 : i32
      %mul3A_64 = arith.muli %add3A_62, %mul3A_63 : i32
      %dma_start3A_65 = tpu.memref_slice %arg8[%mul3A_64] : memref<8192xf32, #tpu.memory_space<vmem>> -> memref<16xf32, #tpu.memory_space<vmem>>
      %dma_start3A_66 = tpu.memref_slice %arg4[%squeeze3A, %mul3A_58] : memref<64x1000000xf32, #tpu.memory_space<hbm>> -> memref<1x16xf32, #tpu.memory_space<hbm>>
      %dma_start3A_67 = tpu.memref_squeeze %dma_start3A_66 : memref<1x16xf32, #tpu.memory_space<hbm>> -> memref<16xf32, #tpu.memory_space<hbm>>
      %dma_start3A_68 = tpu.memref_slice %arg8[%mul3A_64] : memref<8192xf32, #tpu.memory_space<vmem>> -> memref<16xf32, #tpu.memory_space<vmem>>
      %dma_start3A_69 = tpu.memref_slice %arg4[%squeeze3A, %mul3A_58] : memref<64x1000000xf32, #tpu.memory_space<hbm>> -> memref<1x16xf32, #tpu.memory_space<hbm>>
      %dma_start3A_70 = tpu.memref_squeeze %dma_start3A_69 : memref<1x16xf32, #tpu.memory_space<hbm>> -> memref<16xf32, #tpu.memory_space<hbm>>
      tpu.enqueue_dma source(%dma_start3A_70 : memref<16xf32, #tpu.memory_space<hbm>>) target(%dma_start3A_68 : memref<16xf32, #tpu.memory_space<vmem>>) target_semaphore(%arg10 : memref<!tpu.dma_semaphore, #tpu.memory_space<semaphore_mem>>)
      %slice3A_71 = vector.extract_strided_slice %get3A_31 {offsets = [1], sizes = [1], strides = [1]} : vector<16xi32> to vector<1xi32>
      %squeeze3A_72 = vector.extract %slice3A_71[0] : i32 from vector<1xi32>
      %slice3A_73 = vector.extract_strided_slice %select_n3A {offsets = [1], sizes = [1], strides = [1]} : vector<16xi32> to vector<1xi32>
      %squeeze3A_74 = vector.extract %slice3A_73[0] : i32 from vector<1xi32>
      %mul3A_75 = arith.constant 16 : i32
      %mul3A_76 = arith.muli %squeeze3A_74, %mul3A_75 : i32
      %mul3A_77 = arith.constant 16 : i32
      %mul3A_78 = arith.muli %scan3A_24, %mul3A_77 : i32
      %add3A_79 = arith.constant 1 : i32
      %add3A_80 = arith.addi %mul3A_78, %add3A_79 : i32
      %mul3A_81 = arith.constant 16 : i32
      %mul3A_82 = arith.muli %add3A_80, %mul3A_81 : i32
      %dma_start3A_83 = tpu.memref_slice %arg8[%mul3A_82] : memref<8192xf32, #tpu.memory_space<vmem>> -> memref<16xf32, #tpu.memory_space<vmem>>
      %dma_start3A_84 = tpu.memref_slice %arg4[%squeeze3A_72, %mul3A_76] : memref<64x1000000xf32, #tpu.memory_space<hbm>> -> memref<1x16xf32, #tpu.memory_space<hbm>>
      %dma_start3A_85 = tpu.memref_squeeze %dma_start3A_84 : memref<1x16xf32, #tpu.memory_space<hbm>> -> memref<16xf32, #tpu.memory_space<hbm>>
      %dma_start3A_86 = tpu.memref_slice %arg8[%mul3A_82] : memref<8192xf32, #tpu.memory_space<vmem>> -> memref<16xf32, #tpu.memory_space<vmem>>
      %dma_start3A_87 = tpu.memref_slice %arg4[%squeeze3A_72, %mul3A_76] : memref<64x1000000xf32, #tpu.memory_space<hbm>> -> memref<1x16xf32, #tpu.memory_space<hbm>>
      %dma_start3A_88 = tpu.memref_squeeze %dma_start3A_87 : memref<1x16xf32, #tpu.memory_space<hbm>> -> memref<16xf32, #tpu.memory_space<hbm>>
      tpu.enqueue_dma source(%dma_start3A_88 : memref<16xf32, #tpu.memory_space<hbm>>) target(%dma_start3A_86 : memref<16xf32, #tpu.memory_space<vmem>>) target_semaphore(%arg10 : memref<!tpu.dma_semaphore, #tpu.memory_space<semaphore_mem>>)
      %slice3A_89 = vector.extract_strided_slice %get3A_31 {offsets = [2], sizes = [1], strides = [1]} : vector<16xi32> to vector<1xi32>
      %squeeze3A_90 = vector.extract %slice3A_89[0] : i32 from vector<1xi32>
      %slice3A_91 = vector.extract_strided_slice %select_n3A {offsets = [2], sizes = [1], strides = [1]} : vector<16xi32> to vector<1xi32>
      %squeeze3A_92 = vector.extract %slice3A_91[0] : i32 from vector<1xi32>
      %mul3A_93 = arith.constant 16 : i32
      %mul3A_94 = arith.muli %squeeze3A_92, %mul3A_93 : i32
      %mul3A_95 = arith.constant 16 : i32
      %mul3A_96 = arith.muli %scan3A_24, %mul3A_95 : i32
      %add3A_97 = arith.constant 2 : i32
      %add3A_98 = arith.addi %mul3A_96, %add3A_97 : i32
      %mul3A_99 = arith.constant 16 : i32
      %mul3A_100 = arith.muli %add3A_98, %mul3A_99 : i32
      %dma_start3A_101 = tpu.memref_slice %arg8[%mul3A_100] : memref<8192xf32, #tpu.memory_space<vmem>> -> memref<16xf32, #tpu.memory_space<vmem>>
      %dma_start3A_102 = tpu.memref_slice %arg4[%squeeze3A_90, %mul3A_94] : memref<64x1000000xf32, #tpu.memory_space<hbm>> -> memref<1x16xf32, #tpu.memory_space<hbm>>
      %dma_start3A_103 = tpu.memref_squeeze %dma_start3A_102 : memref<1x16xf32, #tpu.memory_space<hbm>> -> memref<16xf32, #tpu.memory_space<hbm>>
      %dma_start3A_104 = tpu.memref_slice %arg8[%mul3A_100] : memref<8192xf32, #tpu.memory_space<vmem>> -> memref<16xf32, #tpu.memory_space<vmem>>
      %dma_start3A_105 = tpu.memref_slice %arg4[%squeeze3A_90, %mul3A_94] : memref<64x1000000xf32, #tpu.memory_space<hbm>> -> memref<1x16xf32, #tpu.memory_space<hbm>>
      %dma_start3A_106 = tpu.memref_squeeze %dma_start3A_105 : memref<1x16xf32, #tpu.memory_space<hbm>> -> memref<16xf32, #tpu.memory_space<hbm>>
      tpu.enqueue_dma source(%dma_start3A_106 : memref<16xf32, #tpu.memory_space<hbm>>) target(%dma_start3A_104 : memref<16xf32, #tpu.memory_space<vmem>>) target_semaphore(%arg10 : memref<!tpu.dma_semaphore, #tpu.memory_space<semaphore_mem>>)
      %slice3A_107 = vector.extract_strided_slice %get3A_31 {offsets = [3], sizes = [1], strides = [1]} : vector<16xi32> to vector<1xi32>
      %squeeze3A_108 = vector.extract %slice3A_107[0] : i32 from vector<1xi32>
      %slice3A_109 = vector.extract_strided_slice %select_n3A {offsets = [3], sizes = [1], strides = [1]} : vector<16xi32> to vector<1xi32>
      %squeeze3A_110 = vector.extract %slice3A_109[0] : i32 from vector<1xi32>
      %mul3A_111 = arith.constant 16 : i32
      %mul3A_112 = arith.muli %squeeze3A_110, %mul3A_111 : i32
      %mul3A_113 = arith.constant 16 : i32
      %mul3A_114 = arith.muli %scan3A_24, %mul3A_113 : i32
      %add3A_115 = arith.constant 3 : i32
      %add3A_116 = arith.addi %mul3A_114, %add3A_115 : i32
      %mul3A_117 = arith.constant 16 : i32
      %mul3A_118 = arith.muli %add3A_116, %mul3A_117 : i32
      %dma_start3A_119 = tpu.memref_slice %arg8[%mul3A_118] : memref<8192xf32, #tpu.memory_space<vmem>> -> memref<16xf32, #tpu.memory_space<vmem>>
      %dma_start3A_120 = tpu.memref_slice %arg4[%squeeze3A_108, %mul3A_112] : memref<64x1000000xf32, #tpu.memory_space<hbm>> -> memref<1x16xf32, #tpu.memory_space<hbm>>
      %dma_start3A_121 = tpu.memref_squeeze %dma_start3A_120 : memref<1x16xf32, #tpu.memory_space<hbm>> -> memref<16xf32, #tpu.memory_space<hbm>>
      %dma_start3A_122 = tpu.memref_slice %arg8[%mul3A_118] : memref<8192xf32, #tpu.memory_space<vmem>> -> memref<16xf32, #tpu.memory_space<vmem>>
      %dma_start3A_123 = tpu.memref_slice %arg4[%squeeze3A_108, %mul3A_112] : memref<64x1000000xf32, #tpu.memory_space<hbm>> -> memref<1x16xf32, #tpu.memory_space<hbm>>
      %dma_start3A_124 = tpu.memref_squeeze %dma_start3A_123 : memref<1x16xf32, #tpu.memory_space<hbm>> -> memref<16xf32, #tpu.memory_space<hbm>>
      tpu.enqueue_dma source(%dma_start3A_124 : memref<16xf32, #tpu.memory_space<hbm>>) target(%dma_start3A_122 : memref<16xf32, #tpu.memory_space<vmem>>) target_semaphore(%arg10 : memref<!tpu.dma_semaphore, #tpu.memory_space<semaphore_mem>>)
      %slice3A_125 = vector.extract_strided_slice %get3A_31 {offsets = [4], sizes = [1], strides = [1]} : vector<16xi32> to vector<1xi32>
      %squeeze3A_126 = vector.extract %slice3A_125[0] : i32 from vector<1xi32>
      %slice3A_127 = vector.extract_strided_slice %select_n3A {offsets = [4], sizes = [1], strides = [1]} : vector<16xi32> to vector<1xi32>
      %squeeze3A_128 = vector.extract %slice3A_127[0] : i32 from vector<1xi32>
      %mul3A_129 = arith.constant 16 : i32
      %mul3A_130 = arith.muli %squeeze3A_128, %mul3A_129 : i32
      %mul3A_131 = arith.constant 16 : i32
      %mul3A_132 = arith.muli %scan3A_24, %mul3A_131 : i32
      %add3A_133 = arith.constant 4 : i32
      %add3A_134 = arith.addi %mul3A_132, %add3A_133 : i32
      %mul3A_135 = arith.constant 16 : i32
      %mul3A_136 = arith.muli %add3A_134, %mul3A_135 : i32
      %dma_start3A_137 = tpu.memref_slice %arg8[%mul3A_136] : memref<8192xf32, #tpu.memory_space<vmem>> -> memref<16xf32, #tpu.memory_space<vmem>>
      %dma_start3A_138 = tpu.memref_slice %arg4[%squeeze3A_126, %mul3A_130] : memref<64x1000000xf32, #tpu.memory_space<hbm>> -> memref<1x16xf32, #tpu.memory_space<hbm>>
      %dma_start3A_139 = tpu.memref_squeeze %dma_start3A_138 : memref<1x16xf32, #tpu.memory_space<hbm>> -> memref<16xf32, #tpu.memory_space<hbm>>
      %dma_start3A_140 = tpu.memref_slice %arg8[%mul3A_136] : memref<8192xf32, #tpu.memory_space<vmem>> -> memref<16xf32, #tpu.memory_space<vmem>>
      %dma_start3A_141 = tpu.memref_slice %arg4[%squeeze3A_126, %mul3A_130] : memref<64x1000000xf32, #tpu.memory_space<hbm>> -> memref<1x16xf32, #tpu.memory_space<hbm>>
      %dma_start3A_142 = tpu.memref_squeeze %dma_start3A_141 : memref<1x16xf32, #tpu.memory_space<hbm>> -> memref<16xf32, #tpu.memory_space<hbm>>
      tpu.enqueue_dma source(%dma_start3A_142 : memref<16xf32, #tpu.memory_space<hbm>>) target(%dma_start3A_140 : memref<16xf32, #tpu.memory_space<vmem>>) target_semaphore(%arg10 : memref<!tpu.dma_semaphore, #tpu.memory_space<semaphore_mem>>)
      %slice3A_143 = vector.extract_strided_slice %get3A_31 {offsets = [5], sizes = [1], strides = [1]} : vector<16xi32> to vector<1xi32>
      %squeeze3A_144 = vector.extract %slice3A_143[0] : i32 from vector<1xi32>
      %slice3A_145 = vector.extract_strided_slice %select_n3A {offsets = [5], sizes = [1], strides = [1]} : vector<16xi32> to vector<1xi32>
      %squeeze3A_146 = vector.extract %slice3A_145[0] : i32 from vector<1xi32>
      %mul3A_147 = arith.constant 16 : i32
      %mul3A_148 = arith.muli %squeeze3A_146, %mul3A_147 : i32
      %mul3A_149 = arith.constant 16 : i32
      %mul3A_150 = arith.muli %scan3A_24, %mul3A_149 : i32
      %add3A_151 = arith.constant 5 : i32
      %add3A_152 = arith.addi %mul3A_150, %add3A_151 : i32
      %mul3A_153 = arith.constant 16 : i32
      %mul3A_154 = arith.muli %add3A_152, %mul3A_153 : i32
      %dma_start3A_155 = tpu.memref_slice %arg8[%mul3A_154] : memref<8192xf32, #tpu.memory_space<vmem>> -> memref<16xf32, #tpu.memory_space<vmem>>
      %dma_start3A_156 = tpu.memref_slice %arg4[%squeeze3A_144, %mul3A_148] : memref<64x1000000xf32, #tpu.memory_space<hbm>> -> memref<1x16xf32, #tpu.memory_space<hbm>>
      %dma_start3A_157 = tpu.memref_squeeze %dma_start3A_156 : memref<1x16xf32, #tpu.memory_space<hbm>> -> memref<16xf32, #tpu.memory_space<hbm>>
      %dma_start3A_158 = tpu.memref_slice %arg8[%mul3A_154] : memref<8192xf32, #tpu.memory_space<vmem>> -> memref<16xf32, #tpu.memory_space<vmem>>
      %dma_start3A_159 = tpu.memref_slice %arg4[%squeeze3A_144, %mul3A_148] : memref<64x1000000xf32, #tpu.memory_space<hbm>> -> memref<1x16xf32, #tpu.memory_space<hbm>>
      %dma_start3A_160 = tpu.memref_squeeze %dma_start3A_159 : memref<1x16xf32, #tpu.memory_space<hbm>> -> memref<16xf32, #tpu.memory_space<hbm>>
      tpu.enqueue_dma source(%dma_start3A_160 : memref<16xf32, #tpu.memory_space<hbm>>) target(%dma_start3A_158 : memref<16xf32, #tpu.memory_space<vmem>>) target_semaphore(%arg10 : memref<!tpu.dma_semaphore, #tpu.memory_space<semaphore_mem>>)
      %slice3A_161 = vector.extract_strided_slice %get3A_31 {offsets = [6], sizes = [1], strides = [1]} : vector<16xi32> to vector<1xi32>
      %squeeze3A_162 = vector.extract %slice3A_161[0] : i32 from vector<1xi32>
      %slice3A_163 = vector.extract_strided_slice %select_n3A {offsets = [6], sizes = [1], strides = [1]} : vector<16xi32> to vector<1xi32>
      %squeeze3A_164 = vector.extract %slice3A_163[0] : i32 from vector<1xi32>
      %mul3A_165 = arith.constant 16 : i32
      %mul3A_166 = arith.muli %squeeze3A_164, %mul3A_165 : i32
      %mul3A_167 = arith.constant 16 : i32
      %mul3A_168 = arith.muli %scan3A_24, %mul3A_167 : i32
      %add3A_169 = arith.constant 6 : i32
      %add3A_170 = arith.addi %mul3A_168, %add3A_169 : i32
      %mul3A_171 = arith.constant 16 : i32
      %mul3A_172 = arith.muli %add3A_170, %mul3A_171 : i32
      %dma_start3A_173 = tpu.memref_slice %arg8[%mul3A_172] : memref<8192xf32, #tpu.memory_space<vmem>> -> memref<16xf32, #tpu.memory_space<vmem>>
      %dma_start3A_174 = tpu.memref_slice %arg4[%squeeze3A_162, %mul3A_166] : memref<64x1000000xf32, #tpu.memory_space<hbm>> -> memref<1x16xf32, #tpu.memory_space<hbm>>
      %dma_start3A_175 = tpu.memref_squeeze %dma_start3A_174 : memref<1x16xf32, #tpu.memory_space<hbm>> -> memref<16xf32, #tpu.memory_space<hbm>>
      %dma_start3A_176 = tpu.memref_slice %arg8[%mul3A_172] : memref<8192xf32, #tpu.memory_space<vmem>> -> memref<16xf32, #tpu.memory_space<vmem>>
      %dma_start3A_177 = tpu.memref_slice %arg4[%squeeze3A_162, %mul3A_166] : memref<64x1000000xf32, #tpu.memory_space<hbm>> -> memref<1x16xf32, #tpu.memory_space<hbm>>
      %dma_start3A_178 = tpu.memref_squeeze %dma_start3A_177 : memref<1x16xf32, #tpu.memory_space<hbm>> -> memref<16xf32, #tpu.memory_space<hbm>>
      tpu.enqueue_dma source(%dma_start3A_178 : memref<16xf32, #tpu.memory_space<hbm>>) target(%dma_start3A_176 : memref<16xf32, #tpu.memory_space<vmem>>) target_semaphore(%arg10 : memref<!tpu.dma_semaphore, #tpu.memory_space<semaphore_mem>>)
      %slice3A_179 = vector.extract_strided_slice %get3A_31 {offsets = [7], sizes = [1], strides = [1]} : vector<16xi32> to vector<1xi32>
      %squeeze3A_180 = vector.extract %slice3A_179[0] : i32 from vector<1xi32>
      %slice3A_181 = vector.extract_strided_slice %select_n3A {offsets = [7], sizes = [1], strides = [1]} : vector<16xi32> to vector<1xi32>
      %squeeze3A_182 = vector.extract %slice3A_181[0] : i32 from vector<1xi32>
      %mul3A_183 = arith.constant 16 : i32
      %mul3A_184 = arith.muli %squeeze3A_182, %mul3A_183 : i32
      %mul3A_185 = arith.constant 16 : i32
      %mul3A_186 = arith.muli %scan3A_24, %mul3A_185 : i32
      %add3A_187 = arith.constant 7 : i32
      %add3A_188 = arith.addi %mul3A_186, %add3A_187 : i32
      %mul3A_189 = arith.constant 16 : i32
      %mul3A_190 = arith.muli %add3A_188, %mul3A_189 : i32
      %dma_start3A_191 = tpu.memref_slice %arg8[%mul3A_190] : memref<8192xf32, #tpu.memory_space<vmem>> -> memref<16xf32, #tpu.memory_space<vmem>>
      %dma_start3A_192 = tpu.memref_slice %arg4[%squeeze3A_180, %mul3A_184] : memref<64x1000000xf32, #tpu.memory_space<hbm>> -> memref<1x16xf32, #tpu.memory_space<hbm>>
      %dma_start3A_193 = tpu.memref_squeeze %dma_start3A_192 : memref<1x16xf32, #tpu.memory_space<hbm>> -> memref<16xf32, #tpu.memory_space<hbm>>
      %dma_start3A_194 = tpu.memref_slice %arg8[%mul3A_190] : memref<8192xf32, #tpu.memory_space<vmem>> -> memref<16xf32, #tpu.memory_space<vmem>>
      %dma_start3A_195 = tpu.memref_slice %arg4[%squeeze3A_180, %mul3A_184] : memref<64x1000000xf32, #tpu.memory_space<hbm>> -> memref<1x16xf32, #tpu.memory_space<hbm>>
      %dma_start3A_196 = tpu.memref_squeeze %dma_start3A_195 : memref<1x16xf32, #tpu.memory_space<hbm>> -> memref<16xf32, #tpu.memory_space<hbm>>
      tpu.enqueue_dma source(%dma_start3A_196 : memref<16xf32, #tpu.memory_space<hbm>>) target(%dma_start3A_194 : memref<16xf32, #tpu.memory_space<vmem>>) target_semaphore(%arg10 : memref<!tpu.dma_semaphore, #tpu.memory_space<semaphore_mem>>)
      %slice3A_197 = vector.extract_strided_slice %get3A_31 {offsets = [8], sizes = [1], strides = [1]} : vector<16xi32> to vector<1xi32>
      %squeeze3A_198 = vector.extract %slice3A_197[0] : i32 from vector<1xi32>
      %slice3A_199 = vector.extract_strided_slice %select_n3A {offsets = [8], sizes = [1], strides = [1]} : vector<16xi32> to vector<1xi32>
      %squeeze3A_200 = vector.extract %slice3A_199[0] : i32 from vector<1xi32>
      %mul3A_201 = arith.constant 16 : i32
      %mul3A_202 = arith.muli %squeeze3A_200, %mul3A_201 : i32
      %mul3A_203 = arith.constant 16 : i32
      %mul3A_204 = arith.muli %scan3A_24, %mul3A_203 : i32
      %add3A_205 = arith.constant 8 : i32
      %add3A_206 = arith.addi %mul3A_204, %add3A_205 : i32
      %mul3A_207 = arith.constant 16 : i32
      %mul3A_208 = arith.muli %add3A_206, %mul3A_207 : i32
      %dma_start3A_209 = tpu.memref_slice %arg8[%mul3A_208] : memref<8192xf32, #tpu.memory_space<vmem>> -> memref<16xf32, #tpu.memory_space<vmem>>
      %dma_start3A_210 = tpu.memref_slice %arg4[%squeeze3A_198, %mul3A_202] : memref<64x1000000xf32, #tpu.memory_space<hbm>> -> memref<1x16xf32, #tpu.memory_space<hbm>>
      %dma_start3A_211 = tpu.memref_squeeze %dma_start3A_210 : memref<1x16xf32, #tpu.memory_space<hbm>> -> memref<16xf32, #tpu.memory_space<hbm>>
      %dma_start3A_212 = tpu.memref_slice %arg8[%mul3A_208] : memref<8192xf32, #tpu.memory_space<vmem>> -> memref<16xf32, #tpu.memory_space<vmem>>
      %dma_start3A_213 = tpu.memref_slice %arg4[%squeeze3A_198, %mul3A_202] : memref<64x1000000xf32, #tpu.memory_space<hbm>> -> memref<1x16xf32, #tpu.memory_space<hbm>>
      %dma_start3A_214 = tpu.memref_squeeze %dma_start3A_213 : memref<1x16xf32, #tpu.memory_space<hbm>> -> memref<16xf32, #tpu.memory_space<hbm>>
      tpu.enqueue_dma source(%dma_start3A_214 : memref<16xf32, #tpu.memory_space<hbm>>) target(%dma_start3A_212 : memref<16xf32, #tpu.memory_space<vmem>>) target_semaphore(%arg10 : memref<!tpu.dma_semaphore, #tpu.memory_space<semaphore_mem>>)
      %slice3A_215 = vector.extract_strided_slice %get3A_31 {offsets = [9], sizes = [1], strides = [1]} : vector<16xi32> to vector<1xi32>
      %squeeze3A_216 = vector.extract %slice3A_215[0] : i32 from vector<1xi32>
      %slice3A_217 = vector.extract_strided_slice %select_n3A {offsets = [9], sizes = [1], strides = [1]} : vector<16xi32> to vector<1xi32>
      %squeeze3A_218 = vector.extract %slice3A_217[0] : i32 from vector<1xi32>
      %mul3A_219 = arith.constant 16 : i32
      %mul3A_220 = arith.muli %squeeze3A_218, %mul3A_219 : i32
      %mul3A_221 = arith.constant 16 : i32
      %mul3A_222 = arith.muli %scan3A_24, %mul3A_221 : i32
      %add3A_223 = arith.constant 9 : i32
      %add3A_224 = arith.addi %mul3A_222, %add3A_223 : i32
      %mul3A_225 = arith.constant 16 : i32
      %mul3A_226 = arith.muli %add3A_224, %mul3A_225 : i32
      %dma_start3A_227 = tpu.memref_slice %arg8[%mul3A_226] : memref<8192xf32, #tpu.memory_space<vmem>> -> memref<16xf32, #tpu.memory_space<vmem>>
      %dma_start3A_228 = tpu.memref_slice %arg4[%squeeze3A_216, %mul3A_220] : memref<64x1000000xf32, #tpu.memory_space<hbm>> -> memref<1x16xf32, #tpu.memory_space<hbm>>
      %dma_start3A_229 = tpu.memref_squeeze %dma_start3A_228 : memref<1x16xf32, #tpu.memory_space<hbm>> -> memref<16xf32, #tpu.memory_space<hbm>>
      %dma_start3A_230 = tpu.memref_slice %arg8[%mul3A_226] : memref<8192xf32, #tpu.memory_space<vmem>> -> memref<16xf32, #tpu.memory_space<vmem>>
      %dma_start3A_231 = tpu.memref_slice %arg4[%squeeze3A_216, %mul3A_220] : memref<64x1000000xf32, #tpu.memory_space<hbm>> -> memref<1x16xf32, #tpu.memory_space<hbm>>
      %dma_start3A_232 = tpu.memref_squeeze %dma_start3A_231 : memref<1x16xf32, #tpu.memory_space<hbm>> -> memref<16xf32, #tpu.memory_space<hbm>>
      tpu.enqueue_dma source(%dma_start3A_232 : memref<16xf32, #tpu.memory_space<hbm>>) target(%dma_start3A_230 : memref<16xf32, #tpu.memory_space<vmem>>) target_semaphore(%arg10 : memref<!tpu.dma_semaphore, #tpu.memory_space<semaphore_mem>>)
      %slice3A_233 = vector.extract_strided_slice %get3A_31 {offsets = [10], sizes = [1], strides = [1]} : vector<16xi32> to vector<1xi32>
      %squeeze3A_234 = vector.extract %slice3A_233[0] : i32 from vector<1xi32>
      %slice3A_235 = vector.extract_strided_slice %select_n3A {offsets = [10], sizes = [1], strides = [1]} : vector<16xi32> to vector<1xi32>
      %squeeze3A_236 = vector.extract %slice3A_235[0] : i32 from vector<1xi32>
      %mul3A_237 = arith.constant 16 : i32
      %mul3A_238 = arith.muli %squeeze3A_236, %mul3A_237 : i32
      %mul3A_239 = arith.constant 16 : i32
      %mul3A_240 = arith.muli %scan3A_24, %mul3A_239 : i32
      %add3A_241 = arith.constant 10 : i32
      %add3A_242 = arith.addi %mul3A_240, %add3A_241 : i32
      %mul3A_243 = arith.constant 16 : i32
      %mul3A_244 = arith.muli %add3A_242, %mul3A_243 : i32
      %dma_start3A_245 = tpu.memref_slice %arg8[%mul3A_244] : memref<8192xf32, #tpu.memory_space<vmem>> -> memref<16xf32, #tpu.memory_space<vmem>>
      %dma_start3A_246 = tpu.memref_slice %arg4[%squeeze3A_234, %mul3A_238] : memref<64x1000000xf32, #tpu.memory_space<hbm>> -> memref<1x16xf32, #tpu.memory_space<hbm>>
      %dma_start3A_247 = tpu.memref_squeeze %dma_start3A_246 : memref<1x16xf32, #tpu.memory_space<hbm>> -> memref<16xf32, #tpu.memory_space<hbm>>
      %dma_start3A_248 = tpu.memref_slice %arg8[%mul3A_244] : memref<8192xf32, #tpu.memory_space<vmem>> -> memref<16xf32, #tpu.memory_space<vmem>>
      %dma_start3A_249 = tpu.memref_slice %arg4[%squeeze3A_234, %mul3A_238] : memref<64x1000000xf32, #tpu.memory_space<hbm>> -> memref<1x16xf32, #tpu.memory_space<hbm>>
      %dma_start3A_250 = tpu.memref_squeeze %dma_start3A_249 : memref<1x16xf32, #tpu.memory_space<hbm>> -> memref<16xf32, #tpu.memory_space<hbm>>
      tpu.enqueue_dma source(%dma_start3A_250 : memref<16xf32, #tpu.memory_space<hbm>>) target(%dma_start3A_248 : memref<16xf32, #tpu.memory_space<vmem>>) target_semaphore(%arg10 : memref<!tpu.dma_semaphore, #tpu.memory_space<semaphore_mem>>)
      %slice3A_251 = vector.extract_strided_slice %get3A_31 {offsets = [11], sizes = [1], strides = [1]} : vector<16xi32> to vector<1xi32>
      %squeeze3A_252 = vector.extract %slice3A_251[0] : i32 from vector<1xi32>
      %slice3A_253 = vector.extract_strided_slice %select_n3A {offsets = [11], sizes = [1], strides = [1]} : vector<16xi32> to vector<1xi32>
      %squeeze3A_254 = vector.extract %slice3A_253[0] : i32 from vector<1xi32>
      %mul3A_255 = arith.constant 16 : i32
      %mul3A_256 = arith.muli %squeeze3A_254, %mul3A_255 : i32
      %mul3A_257 = arith.constant 16 : i32
      %mul3A_258 = arith.muli %scan3A_24, %mul3A_257 : i32
      %add3A_259 = arith.constant 11 : i32
      %add3A_260 = arith.addi %mul3A_258, %add3A_259 : i32
      %mul3A_261 = arith.constant 16 : i32
      %mul3A_262 = arith.muli %add3A_260, %mul3A_261 : i32
      %dma_start3A_263 = tpu.memref_slice %arg8[%mul3A_262] : memref<8192xf32, #tpu.memory_space<vmem>> -> memref<16xf32, #tpu.memory_space<vmem>>
      %dma_start3A_264 = tpu.memref_slice %arg4[%squeeze3A_252, %mul3A_256] : memref<64x1000000xf32, #tpu.memory_space<hbm>> -> memref<1x16xf32, #tpu.memory_space<hbm>>
      %dma_start3A_265 = tpu.memref_squeeze %dma_start3A_264 : memref<1x16xf32, #tpu.memory_space<hbm>> -> memref<16xf32, #tpu.memory_space<hbm>>
      %dma_start3A_266 = tpu.memref_slice %arg8[%mul3A_262] : memref<8192xf32, #tpu.memory_space<vmem>> -> memref<16xf32, #tpu.memory_space<vmem>>
      %dma_start3A_267 = tpu.memref_slice %arg4[%squeeze3A_252, %mul3A_256] : memref<64x1000000xf32, #tpu.memory_space<hbm>> -> memref<1x16xf32, #tpu.memory_space<hbm>>
      %dma_start3A_268 = tpu.memref_squeeze %dma_start3A_267 : memref<1x16xf32, #tpu.memory_space<hbm>> -> memref<16xf32, #tpu.memory_space<hbm>>
      tpu.enqueue_dma source(%dma_start3A_268 : memref<16xf32, #tpu.memory_space<hbm>>) target(%dma_start3A_266 : memref<16xf32, #tpu.memory_space<vmem>>) target_semaphore(%arg10 : memref<!tpu.dma_semaphore, #tpu.memory_space<semaphore_mem>>)
      %slice3A_269 = vector.extract_strided_slice %get3A_31 {offsets = [12], sizes = [1], strides = [1]} : vector<16xi32> to vector<1xi32>
      %squeeze3A_270 = vector.extract %slice3A_269[0] : i32 from vector<1xi32>
      %slice3A_271 = vector.extract_strided_slice %select_n3A {offsets = [12], sizes = [1], strides = [1]} : vector<16xi32> to vector<1xi32>
      %squeeze3A_272 = vector.extract %slice3A_271[0] : i32 from vector<1xi32>
      %mul3A_273 = arith.constant 16 : i32
      %mul3A_274 = arith.muli %squeeze3A_272, %mul3A_273 : i32
      %mul3A_275 = arith.constant 16 : i32
      %mul3A_276 = arith.muli %scan3A_24, %mul3A_275 : i32
      %add3A_277 = arith.constant 12 : i32
      %add3A_278 = arith.addi %mul3A_276, %add3A_277 : i32
      %mul3A_279 = arith.constant 16 : i32
      %mul3A_280 = arith.muli %add3A_278, %mul3A_279 : i32
      %dma_start3A_281 = tpu.memref_slice %arg8[%mul3A_280] : memref<8192xf32, #tpu.memory_space<vmem>> -> memref<16xf32, #tpu.memory_space<vmem>>
      %dma_start3A_282 = tpu.memref_slice %arg4[%squeeze3A_270, %mul3A_274] : memref<64x1000000xf32, #tpu.memory_space<hbm>> -> memref<1x16xf32, #tpu.memory_space<hbm>>
      %dma_start3A_283 = tpu.memref_squeeze %dma_start3A_282 : memref<1x16xf32, #tpu.memory_space<hbm>> -> memref<16xf32, #tpu.memory_space<hbm>>
      %dma_start3A_284 = tpu.memref_slice %arg8[%mul3A_280] : memref<8192xf32, #tpu.memory_space<vmem>> -> memref<16xf32, #tpu.memory_space<vmem>>
      %dma_start3A_285 = tpu.memref_slice %arg4[%squeeze3A_270, %mul3A_274] : memref<64x1000000xf32, #tpu.memory_space<hbm>> -> memref<1x16xf32, #tpu.memory_space<hbm>>
      %dma_start3A_286 = tpu.memref_squeeze %dma_start3A_285 : memref<1x16xf32, #tpu.memory_space<hbm>> -> memref<16xf32, #tpu.memory_space<hbm>>
      tpu.enqueue_dma source(%dma_start3A_286 : memref<16xf32, #tpu.memory_space<hbm>>) target(%dma_start3A_284 : memref<16xf32, #tpu.memory_space<vmem>>) target_semaphore(%arg10 : memref<!tpu.dma_semaphore, #tpu.memory_space<semaphore_mem>>)
      %slice3A_287 = vector.extract_strided_slice %get3A_31 {offsets = [13], sizes = [1], strides = [1]} : vector<16xi32> to vector<1xi32>
      %squeeze3A_288 = vector.extract %slice3A_287[0] : i32 from vector<1xi32>
      %slice3A_289 = vector.extract_strided_slice %select_n3A {offsets = [13], sizes = [1], strides = [1]} : vector<16xi32> to vector<1xi32>
      %squeeze3A_290 = vector.extract %slice3A_289[0] : i32 from vector<1xi32>
      %mul3A_291 = arith.constant 16 : i32
      %mul3A_292 = arith.muli %squeeze3A_290, %mul3A_291 : i32
      %mul3A_293 = arith.constant 16 : i32
      %mul3A_294 = arith.muli %scan3A_24, %mul3A_293 : i32
      %add3A_295 = arith.constant 13 : i32
      %add3A_296 = arith.addi %mul3A_294, %add3A_295 : i32
      %mul3A_297 = arith.constant 16 : i32
      %mul3A_298 = arith.muli %add3A_296, %mul3A_297 : i32
      %dma_start3A_299 = tpu.memref_slice %arg8[%mul3A_298] : memref<8192xf32, #tpu.memory_space<vmem>> -> memref<16xf32, #tpu.memory_space<vmem>>
      %dma_start3A_300 = tpu.memref_slice %arg4[%squeeze3A_288, %mul3A_292] : memref<64x1000000xf32, #tpu.memory_space<hbm>> -> memref<1x16xf32, #tpu.memory_space<hbm>>
      %dma_start3A_301 = tpu.memref_squeeze %dma_start3A_300 : memref<1x16xf32, #tpu.memory_space<hbm>> -> memref<16xf32, #tpu.memory_space<hbm>>
      %dma_start3A_302 = tpu.memref_slice %arg8[%mul3A_298] : memref<8192xf32, #tpu.memory_space<vmem>> -> memref<16xf32, #tpu.memory_space<vmem>>
      %dma_start3A_303 = tpu.memref_slice %arg4[%squeeze3A_288, %mul3A_292] : memref<64x1000000xf32, #tpu.memory_space<hbm>> -> memref<1x16xf32, #tpu.memory_space<hbm>>
      %dma_start3A_304 = tpu.memref_squeeze %dma_start3A_303 : memref<1x16xf32, #tpu.memory_space<hbm>> -> memref<16xf32, #tpu.memory_space<hbm>>
      tpu.enqueue_dma source(%dma_start3A_304 : memref<16xf32, #tpu.memory_space<hbm>>) target(%dma_start3A_302 : memref<16xf32, #tpu.memory_space<vmem>>) target_semaphore(%arg10 : memref<!tpu.dma_semaphore, #tpu.memory_space<semaphore_mem>>)
      %slice3A_305 = vector.extract_strided_slice %get3A_31 {offsets = [14], sizes = [1], strides = [1]} : vector<16xi32> to vector<1xi32>
      %squeeze3A_306 = vector.extract %slice3A_305[0] : i32 from vector<1xi32>
      %slice3A_307 = vector.extract_strided_slice %select_n3A {offsets = [14], sizes = [1], strides = [1]} : vector<16xi32> to vector<1xi32>
      %squeeze3A_308 = vector.extract %slice3A_307[0] : i32 from vector<1xi32>
      %mul3A_309 = arith.constant 16 : i32
      %mul3A_310 = arith.muli %squeeze3A_308, %mul3A_309 : i32
      %mul3A_311 = arith.constant 16 : i32
      %mul3A_312 = arith.muli %scan3A_24, %mul3A_311 : i32
      %add3A_313 = arith.constant 14 : i32
      %add3A_314 = arith.addi %mul3A_312, %add3A_313 : i32
      %mul3A_315 = arith.constant 16 : i32
      %mul3A_316 = arith.muli %add3A_314, %mul3A_315 : i32
      %dma_start3A_317 = tpu.memref_slice %arg8[%mul3A_316] : memref<8192xf32, #tpu.memory_space<vmem>> -> memref<16xf32, #tpu.memory_space<vmem>>
      %dma_start3A_318 = tpu.memref_slice %arg4[%squeeze3A_306, %mul3A_310] : memref<64x1000000xf32, #tpu.memory_space<hbm>> -> memref<1x16xf32, #tpu.memory_space<hbm>>
      %dma_start3A_319 = tpu.memref_squeeze %dma_start3A_318 : memref<1x16xf32, #tpu.memory_space<hbm>> -> memref<16xf32, #tpu.memory_space<hbm>>
      %dma_start3A_320 = tpu.memref_slice %arg8[%mul3A_316] : memref<8192xf32, #tpu.memory_space<vmem>> -> memref<16xf32, #tpu.memory_space<vmem>>
      %dma_start3A_321 = tpu.memref_slice %arg4[%squeeze3A_306, %mul3A_310] : memref<64x1000000xf32, #tpu.memory_space<hbm>> -> memref<1x16xf32, #tpu.memory_space<hbm>>
      %dma_start3A_322 = tpu.memref_squeeze %dma_start3A_321 : memref<1x16xf32, #tpu.memory_space<hbm>> -> memref<16xf32, #tpu.memory_space<hbm>>
      tpu.enqueue_dma source(%dma_start3A_322 : memref<16xf32, #tpu.memory_space<hbm>>) target(%dma_start3A_320 : memref<16xf32, #tpu.memory_space<vmem>>) target_semaphore(%arg10 : memref<!tpu.dma_semaphore, #tpu.memory_space<semaphore_mem>>)
      %slice3A_323 = vector.extract_strided_slice %get3A_31 {offsets = [15], sizes = [1], strides = [1]} : vector<16xi32> to vector<1xi32>
      %squeeze3A_324 = vector.extract %slice3A_323[0] : i32 from vector<1xi32>
      %slice3A_325 = vector.extract_strided_slice %select_n3A {offsets = [15], sizes = [1], strides = [1]} : vector<16xi32> to vector<1xi32>
      %squeeze3A_326 = vector.extract %slice3A_325[0] : i32 from vector<1xi32>
      %mul3A_327 = arith.constant 16 : i32
      %mul3A_328 = arith.muli %squeeze3A_326, %mul3A_327 : i32
      %mul3A_329 = arith.constant 16 : i32
      %mul3A_330 = arith.muli %scan3A_24, %mul3A_329 : i32
      %add3A_331 = arith.constant 15 : i32
      %add3A_332 = arith.addi %mul3A_330, %add3A_331 : i32
      %mul3A_333 = arith.constant 16 : i32
      %mul3A_334 = arith.muli %add3A_332, %mul3A_333 : i32
      %dma_start3A_335 = tpu.memref_slice %arg8[%mul3A_334] : memref<8192xf32, #tpu.memory_space<vmem>> -> memref<16xf32, #tpu.memory_space<vmem>>
      %dma_start3A_336 = tpu.memref_slice %arg4[%squeeze3A_324, %mul3A_328] : memref<64x1000000xf32, #tpu.memory_space<hbm>> -> memref<1x16xf32, #tpu.memory_space<hbm>>
      %dma_start3A_337 = tpu.memref_squeeze %dma_start3A_336 : memref<1x16xf32, #tpu.memory_space<hbm>> -> memref<16xf32, #tpu.memory_space<hbm>>
      %dma_start3A_338 = tpu.memref_slice %arg8[%mul3A_334] : memref<8192xf32, #tpu.memory_space<vmem>> -> memref<16xf32, #tpu.memory_space<vmem>>
      %dma_start3A_339 = tpu.memref_slice %arg4[%squeeze3A_324, %mul3A_328] : memref<64x1000000xf32, #tpu.memory_space<hbm>> -> memref<1x16xf32, #tpu.memory_space<hbm>>
      %dma_start3A_340 = tpu.memref_squeeze %dma_start3A_339 : memref<1x16xf32, #tpu.memory_space<hbm>> -> memref<16xf32, #tpu.memory_space<hbm>>
      tpu.enqueue_dma source(%dma_start3A_340 : memref<16xf32, #tpu.memory_space<hbm>>) target(%dma_start3A_338 : memref<16xf32, #tpu.memory_space<vmem>>) target_semaphore(%arg10 : memref<!tpu.dma_semaphore, #tpu.memory_space<semaphore_mem>>)
    }
    %scan3A_13 = arith.constant 32 : i32
    %dma_wait3A_14 = arith.constant 0 : i32
    %dma_wait3A_15 = tpu.memref_slice %arg5[%dma_wait3A_14] : memref<16384xf32, #tpu.memory_space<hbm>> -> memref<8192xf32, #tpu.memory_space<hbm>>
    %dma_wait3A_16 = arith.constant 0 : i32
    %dma_wait3A_17 = tpu.memref_slice %arg5[%dma_wait3A_16] : memref<16384xf32, #tpu.memory_space<hbm>> -> memref<8192xf32, #tpu.memory_space<hbm>>
    tpu.wait_dma2 semaphore(%arg10 : memref<!tpu.dma_semaphore, #tpu.memory_space<semaphore_mem>>) src(%dma_wait3A_17 : memref<8192xf32, #tpu.memory_space<hbm>>) dst(%arg8 : memref<8192xf32, #tpu.memory_space<vmem>>)
    %scan3A_18 = arith.constant 0 : i32
    %scan3A_19 = arith.constant 0 : i32
    %scan3A_20 = arith.constant 32 : i32
    %scan3A_21 = arith.addi %scan3A_19, %scan3A_20 : i32
    %scan3A_22 = arith.constant 1 : i32
    scf.for %scan3A_24 = %scan3A_19 to %scan3A_21 step %scan3A_22  : i32 {
      %mul3A_25 = arith.constant 16 : i32
      %mul3A_26 = arith.muli %scan3A_24, %mul3A_25 : i32
      %get3A = arith.index_cast %mul3A_26 : i32 to index
      %get3A_27 = tpu.vector_load %arg6[%get3A] {strides = array<i32>} : memref<512xi32, #tpu.memory_space<vmem>>, vector<16xi32>,
      %iota3A = tpu.iota {dimensions = array<i32: 0>} : vector<16xi32>
      %mul3A_28 = arith.constant 16 : i32
      %mul3A_29 = arith.muli %scan3A_24, %mul3A_28 : i32
      %add3A_30 = vector.broadcast %mul3A_29 : i32 to vector<16xi32>
      %add3A_31 = arith.addi %iota3A, %add3A_30 : vector<16xi32>
      %mul3A_32 = arith.constant 16 : i32
      %mul3A_33 = vector.broadcast %mul3A_32 : i32 to vector<16xi32>
      %mul3A_34 = arith.muli %add3A_31, %mul3A_33 : vector<16xi32>
      %jit3A = arith.constant 16 : i32
      %eq3A = arith.constant 0 : i32
      %eq3A_35 = arith.cmpi eq, %jit3A, %eq3A : i32
      %jit3A_36 = arith.constant 1 : i32
      %select_n3A = arith.select %eq3A_35, %jit3A_36, %jit3A : i32
      %rem3A = vector.broadcast %select_n3A : i32 to vector<16xi32>
      %rem3A_37 = arith.remsi %get3A_27, %rem3A : vector<16xi32>
      %ne3A = arith.constant 0 : i32
      %ne3A_38 = vector.broadcast %ne3A : i32 to vector<16xi32>
      %ne3A_39 = arith.cmpi ne, %rem3A_37, %ne3A_38 : vector<16xi32>
      %lt3A = arith.constant 0 : i32
      %lt3A_40 = vector.broadcast %lt3A : i32 to vector<16xi32>
      %lt3A_41 = arith.cmpi slt, %rem3A_37, %lt3A_40 : vector<16xi32>
      %lt3A_42 = arith.constant 0 : i32
      %lt3A_43 = arith.cmpi slt, %select_n3A, %lt3A_42 : i32
      %ne3A_44 = vector.broadcast %lt3A_43 : i1 to vector<16xi1>
      %ne3A_45 = vector.broadcast %ne3A_44 : vector<16xi1> to vector<16xi1>
      %ne3A_46 = arith.xori %lt3A_41, %ne3A_45 : vector<16xi1>
      %and3A = arith.andi %ne3A_46, %ne3A_39 : vector<16xi1>
      %add3A_47 = vector.broadcast %select_n3A : i32 to vector<16xi32>
      %add3A_48 = arith.addi %rem3A_37, %add3A_47 : vector<16xi32>
      %select_n3A_49 = arith.select %and3A, %add3A_48, %rem3A_37 : vector<16xi1>, vector<16xi32>
      %add3A_50 = arith.addi %mul3A_34, %select_n3A_49 : vector<16xi32>
      %gather3A = tpu.vector_load_idx %arg8[%add3A_50] : memref<8192xf32, #tpu.memory_space<vmem>>[vector<16xi32>], vector<16xf32>,
      %mul3A_51 = arith.constant 16 : i32
      %mul3A_52 = arith.muli %scan3A_24, %mul3A_51 : i32
      %swap3A = arith.index_cast %mul3A_52 : i32 to index
      %swap3A_53 = tpu.vector_load %arg9[%swap3A] {strides = array<i32>} : memref<512xf32, #tpu.memory_space<vmem>>, vector<16xf32>,
      tpu.vector_store %arg9[%swap3A], %gather3A {strides = array<i32>} : memref<512xf32, #tpu.memory_space<vmem>>, vector<16xf32>,
    }
    %scan3A_23 = arith.constant 32 : i32
    "tpu.region"() ({
      %run_scoped3A = tpu.sem_alloc : memref<!tpu.dma_semaphore, #tpu.memory_space<semaphore_mem>>
      %dma_start3A_24 = tpu.memref_slice %arg5[%mul3A_2] : memref<16384xf32, #tpu.memory_space<hbm>> -> memref<512xf32, #tpu.memory_space<hbm>>
      %dma_start3A_25 = tpu.memref_slice %arg5[%mul3A_2] : memref<16384xf32, #tpu.memory_space<hbm>> -> memref<512xf32, #tpu.memory_space<hbm>>
      tpu.enqueue_dma source(%arg9 : memref<512xf32, #tpu.memory_space<vmem>>) target(%dma_start3A_25 : memref<512xf32, #tpu.memory_space<hbm>>) target_semaphore(%run_scoped3A : memref<!tpu.dma_semaphore, #tpu.memory_space<semaphore_mem>>)
      %dma_wait3A_26 = tpu.memref_slice %arg5[%mul3A_2] : memref<16384xf32, #tpu.memory_space<hbm>> -> memref<512xf32, #tpu.memory_space<hbm>>
      %dma_wait3A_27 = tpu.memref_slice %arg5[%mul3A_2] : memref<16384xf32, #tpu.memory_space<hbm>> -> memref<512xf32, #tpu.memory_space<hbm>>
      tpu.wait_dma2 semaphore(%run_scoped3A : memref<!tpu.dma_semaphore, #tpu.memory_space<semaphore_mem>>) src(%arg9 : memref<512xf32, #tpu.memory_space<vmem>>) dst(%dma_wait3A_27 : memref<512xf32, #tpu.memory_space<hbm>>)
      tpu.yield
    }) : () -> ()
    return
  }
}

</mosaic_0001>

<sc_bundles>
// kernel: kernel.3.cloned.1.call-start
scs
__scs_entry_jumppad:
0x0: {  	(pc) =	sbr.rel $0x88, $3  }
0x1: {  	(tag) =	ssettag $0x0;
	lr =	simm.s32 $0x1  }
0x2: {  	[smem:$0x3F9E] =	sst lr;
	_ =	strace $0xD0000000  }
0x3: {  	_ = 	snop  }
0x4: {  	_ = 	snop  }
0x5: {  	_ = 	snop  }
0x6: {  	_ = 	snop  }
0x7: {  	_ = 	snop  }
__scs_overlays_trampoline_lowered:
0x8: {  	[smem:$0x3FAD] =	sst s0  }
0x9: {  	[smem:$0x3FAE] =	sst s1  }
0xa: {  	[smem:$0x3FAF] =	sst s2  }
0xb: {  	[smem:$0x3FB0] =	sst s3  }
0xc: {  	[smem:$0x3FB1] =	sst s4  }
0xd: {  	[smem:$0x3FB2] =	sst s5  }
0xe: {  	[smem:$0x3FB3] =	sst s6  }
0xf: {  	[smem:$0x3FB4] =	sst s7  }
0x10: {  	[smem:$0x3FB5] =	sst s8  }
0x11: {  	[smem:$0x3FB6] =	sst s9;
	s0 =	simm.s32 @!p0 $0x0  }
0x12: {  	s1 =	sld [smem:$0x3F9C];
	s0 =	simm.s32 @p0 $0x1  }
0x13: {  	[smem:$0x3FB7] =	sst s0;
	s0 =	simm.s32 @!p1 $0x0  }
0x14: {  	s2 =	sld [smem:$0x3F9B];
	s0 =	simm.s32 @p1 $0x1  }
0x15: {  	[smem:$0x3FB8] =	sst s0;
	s0 =	simm.s32 @!p2 $0x0  }
0x16: {  	s3 =	sld [smem:$0x3FDB];
	s0 =	simm.s32 @p2 $0x1  }
0x17: {  	s4 =	simm.s32 $0x1BF5;
	[smem:$0x3FBA] =	sst s0  }
0x18: {  	s0 =	sld [smem:$0x3F9D];
	_ =	swait.ge [sflag:s4], $0x0  }
0x19: {  	s7 =	sld [smem:$0x3F9E]  }
0x1a: {  	s8 =	sadd.s32 $0xFFFFE003, lr  }
0x1b: {  	s9 =	sadd.s32 $0xFFFFFEF7, lr;
	s5 =	simm.s32 $0xFFFFFFFF;
	p2 =	slt.u32 s8, $0xFFFFF086  }
0x1c: {  	p1 =	slt.u32 s9, $0xF7A;
	s5 =	simm.s32 @!p2 $0x0  }
0x1d: {  	s5 =	simm.s32 @p1 $0x1;
	p0 =	seq.s32 s7, s2  }
0x1e: {  	s7 =	smul.u32 @!p0 $0xF7A, s2;
	p2 =	seq.s32 @!p0 s5, $0x0  }
0x1f: {  	s9 =	smul.u32 $0xF7A, s1;
	s8 =	simm.s32 @!p0 $0x1BF5;
	p2 =	por !p2, p0  }
0x20: {  	[sflag:s8] =	ssyncset.s32 @!p0 $0xFFFFF086;
	s6 =	sadd.s32 @!p0 s3, s7;
	s7 =	simm.s32 @!p0 $0x108  }
0x21: {  	s3 =	sadd.s32 s3, s9;
	s6 =	sadd.s32 @!p0 $0x88, s6;
	s7 =	simm.s32 @p2 $0x1082  }
0x22: {  	[simem:s7], [sflag:s8] =	dma.local @!p0 [hbm:s6], $0xF7A  }
0x23: {  	s9 =	sor.u32 $0xD0000000, s2;
	s6 =	simm.s32 $0x108;
	_ =	swait.ge @!p0 [sflag:s8], $0x0  }
0x24: {  	s3 =	sadd.s32 $0x88, s3;
	s6 =	simm.s32 @!p1 $0x1082;
	[sflag:s4] =	ssyncset.s32 $0xFFFFF086  }
0x25: {  	[simem:s6], [sflag:s4] =	dma.local [hbm:s3], $0xF7A  }
0x26: {  	[smem:$0x3F9E] =	sst s1;
	(tag) =	ssettag s2;
	_ =	strace s9  }
0x27: {  	s1 =	sld [smem:$0x3FAE]  }
0x28: {  	s2 =	sld [smem:$0x3FAF]  }
0x29: {  	s4 =	sld [smem:$0x3FB1]  }
0x2a: {  	p0 =	seq.s32 s5, $0x0;
	s5 =	sld [smem:$0x3FB2]  }
0x2b: {  	s6 =	sld [smem:$0x3FB3]  }
0x2c: {  	s7 =	sld [smem:$0x3FB4]  }
0x2d: {  	s3 =	simm.s32 $0x108;
	s8 =	sld [smem:$0x3FB5]  }
0x2e: {  	s3 =	simm.s32 @!p0 $0x1082;
	s9 =	sld [smem:$0x3FB6]  }
0x2f: {  	lr =	sadd.s32 s0, s3;
	s0 =	sld [smem:$0x3FAD]  }
0x30: {  	s3 =	sld [smem:$0x3FB0]  }
0x31: {  	[smem:$0x3FB9] =	sst s10  }
0x32: {  	s10 =	sld [smem:$0x3FB7];
	_ =	sdelay $0x3  }
0x33: {  	p0 =	seq.s32 s10, $0x1;
	s10 =	sld [smem:$0x3FB9];
	_ =	sdelay $0x3  }
0x34: {  	[smem:$0x3FB9] =	sst s10  }
0x35: {  	s10 =	sld [smem:$0x3FB8];
	_ =	sdelay $0x3  }
0x36: {  	p1 =	seq.s32 s10, $0x1;
	s10 =	sld [smem:$0x3FB9];
	_ =	sdelay $0x3  }
0x37: {  	[smem:$0x3FB9] =	sst s10  }
0x38: {  	s10 =	sld [smem:$0x3FBA]  }
0x39: {  	_ = 	snop;
	(pc) =	sbr.ind lr, $3  }
0x3a: {  	_ = 	snop  }
0x3b: {  	_ = 	snop  }
0x3c: {  	p2 =	seq.s32 s10, $0x1;
	s10 =	sld [smem:$0x3FB9]  }
0x3d: {  	_ =	shalt  }
0x3e: {  	_ =	shalt  }
0x3f: {  	_ =	shalt  }
0x40: {  	_ =	shalt  }
0x41: {  	_ =	shalt  }
0x42: {  	_ =	shalt  }
0x43: {  	_ =	shalt  }
0x44: {  	_ =	shalt  }
0x45: {  	_ =	shalt  }
0x46: {  	_ =	shalt  }
0x47: {  	_ =	shalt  }
0x48: {  	_ =	shalt  }
0x49: {  	_ =	shalt  }
0x4a: {  	_ =	shalt  }
0x4b: {  	_ =	shalt  }
0x4c: {  	_ =	shalt  }
0x4d: {  	_ =	shalt  }
0x4e: {  	_ =	shalt  }
0x4f: {  	_ =	shalt  }
0x50: {  	_ =	shalt  }
0x51: {  	_ =	shalt  }
0x52: {  	_ =	shalt  }
0x53: {  	_ =	shalt  }
0x54: {  	_ =	shalt  }
0x55: {  	_ =	shalt  }
0x56: {  	_ =	shalt  }
0x57: {  	_ =	shalt  }
0x58: {  	_ =	shalt  }
0x59: {  	_ =	shalt  }
0x5a: {  	_ =	shalt  }
0x5b: {  	_ =	shalt  }
0x5c: {  	_ =	shalt  }
0x5d: {  	_ =	shalt  }
0x5e: {  	_ =	shalt  }
0x5f: {  	_ =	shalt  }
0x60: {  	_ =	shalt  }
0x61: {  	_ =	shalt  }
0x62: {  	_ =	shalt  }
0x63: {  	_ =	shalt  }
0x64: {  	_ =	shalt  }
0x65: {  	_ =	shalt  }
0x66: {  	_ =	shalt  }
0x67: {  	_ =	shalt  }
0x68: {  	_ =	shalt  }
0x69: {  	_ =	shalt  }
0x6a: {  	_ =	shalt  }
0x6b: {  	_ =	shalt  }
0x6c: {  	_ =	shalt  }
0x6d: {  	_ =	shalt  }
0x6e: {  	_ =	shalt  }
0x6f: {  	_ =	shalt  }
0x70: {  	_ =	shalt  }
0x71: {  	_ =	shalt  }
0x72: {  	_ =	shalt  }
0x73: {  	_ =	shalt  }
0x74: {  	_ =	shalt  }
0x75: {  	_ =	shalt  }
0x76: {  	_ =	shalt  }
0x77: {  	_ =	shalt  }
0x78: {  	_ =	shalt  }
0x79: {  	_ =	shalt  }
0x7a: {  	_ =	shalt  }
0x7b: {  	_ =	shalt  }
0x7c: {  	_ =	shalt  }
0x7d: {  	_ =	shalt  }
0x7e: {  	_ =	shalt  }
0x7f: {  	_ =	shalt  }
0x80: {  	_ =	shalt  }
0x81: {  	_ =	shalt  }
0x82: {  	_ =	shalt  }
0x83: {  	_ =	shalt  }
0x84: {  	_ =	shalt  }
0x85: {  	_ =	shalt  }
0x86: {  	_ =	shalt  }
0x87: {  	_ =	shalt  }
.Lfunc_end0:
.L_simem_size_0:
called_computation_lowered:
.L_overlay_start_0:
0x88: {  	s2 =	sld [smem:$0x3FD9]  }
0x89: {  	s3 =	sld [smem:$0x3FFE];
	_ =	sdelay $0x1  }
0x8a: {  	s1 =	srdreg.scid  }
0x8b: {  	s0 =	sand.u32 $0x1, s1  }
0x8c: {  	s18 =	sshll.u32 s0, $0xA;
	s2 =	sadd.s32 s3, s2  }
0x8d: {  	s2 =	sadd.s32 s2, s18  }
0x8e: {  	[smem:$0x3FC5] =	sst s2  }
0x8f: {  	_ = 	snop  }
0x90: {  	s2 =	sld [smem:$0x3FC9]  }
0x91: {  	s19 =	sld [smem:$0x3FC8]  }
0x92: {  	s4 =	sld [smem:$0x3FC7]  }
0x93: {  	s5 =	sld [smem:$0x3FD0];
	(tm) =	ssettm $0x1  }
0x94: {  	s6 =	sld [smem:$0x3FFB];
	_ =	sdelay $0x3  }
0x95: {  	_ =	strace s6  }
0x96: {  	s6 =	sld [smem:$0x3FFC];
	_ =	sdelay $0x3  }
0x97: {  	_ =	strace s6  }
0x98: {  	s6 =	sld [smem:$0x3FFD];
	_ =	sdelay $0x3  }
0x99: {  	_ =	strace s6  }
0x9a: {  	_ =	strace $0x8FFFFFFF  }
0x9b: {  	s20 =	sld [smem:$0x3FDB];
	_ =	sdelay $0x1  }
0x9c: {  	s7 =	simm.s32 $_scs_section_size  }
0x9d: {  	s8 =	simm.s32 $_size__tile_overlayer_lowered;
	s9 =	simm.s32 $_tile_overlayer_lowered  }
0x9e: {  	s23 =	simm.s32 $0x1BFF;
	s22 =	sshll.u32 s9, $0x1;
	s6 =	sadd.s32 s7, s20  }
0x9f: {  	s10 =	simm.s32 $0x0;
	s21 =	sshll.u32 s8, $0x1;
	s8 =	sadd.s32 s22, s6  }
0xa0: {  	[timem:s10], [sflag:s23] =	dma.local [hbm:s8], s21  }
0xa1: {  	_ =	swait.ge [sflag:s23], s21  }
0xa2: {  	s7 =	ssub.s32 $0x0, s21;
	[sflag:s23] =	ssyncset.done $0x0  }
0xa3: {  	[sflag:s23] =	ssyncadd.s32 s7;
	_ =	sdelay $0x1  }
0xa4: {  	s24 =	simm.s32 $0x1B8B  }
0xa5: {  	_ =	swait.ge [sflag:s24], $0x1  }
0xa6: {  	[sflag:s24] =	ssyncset.done $0x0  }
0xa7: {  	s25 =	simm.s32 $0x1B8E;
	[sflag:s24] =	ssyncadd.s32 $0xFFFFFFFF  }
0xa8: {  	s26 =	simm.s32 $execute0_lowered;
	[smem:$0x3FD2] =	sst s25  }
0xa9: {  	s7 =	sshll.u32 s26, $0x1;
	_ =	strace $0x80000046;
	[dreg:$0x1] =	wrdreg $0xFFFFFFFF  }
0xaa: {  	s28 =	simm.s32 $_size_execute0_lowered;
	s6 =	sadd.s32 s6, s7;
	[dreg:$0x0] =	wrdreg $0x0  }
0xab: {  	s7 =	sshll.u32 s28, $0x1;
	[dreg:$0x2] =	wrdreg s6  }
0xac: {  	[dreg:$0x3] =	wrdreg s7  }
0xad: {  	[dreg:$0x4] =	wrdreg $0xC0  }
0xae: {  	_ =	task [dreg:s10], $0x5FFFF  }
0xaf: {  	[dreg:$0x1] =	wrdreg $0xFFFFFFFF  }
0xb0: {  	[dreg:$0x0] =	wrdreg $0x60  }
0xb1: {  	[dreg:$0x2] =	wrdreg s2  }
0xb2: {  	[dreg:$0x3] =	wrdreg s19  }
0xb3: {  	[dreg:$0x4] =	wrdreg s4  }
0xb4: {  	[dreg:$0x5] =	wrdreg s5  }
0xb5: {  	[dreg:$0x6] =	wrdreg $0x9  }
0xb6: {  	_ =	task.clear_ibuf [dreg:s10], $0x7FFFF;
	_ =	strace $0x90000046  }
0xb7: {  	s29 =	simm.s32 $0x9;
	_ =	strace $0x80000048  }
0xb8: {  	_ =	swait.ge [sflag:s29], $0x1  }
0xb9: {  	[sflag:s29] =	ssyncadd.s32 $0xFFFFFFFF  }
0xba: {  	_ =	strace $0x90000048  }
0xbb: {  	_ =	sfence  }
0xbc: {  	s30 =	sld [smem:$0x0];
	_ =	sdelay $0x2  }
0xbd: {  	s31 =	sshll.u32 s1, $0xD;
	s1 =	sshrl.u32 s1, $0x2  }
0xbe: {  	s3 =	sand.u32 $0x4000, s31;
	s1 =	sadd.s32 s1, s30  }
0xbf: {  	s0 =	sor.u32 s3, s0;
	s1 =	sshll.u32 s1, $0x11  }
0xc0: {  	s0 =	sor.u32 s1, s0  }
0xc1: {  	s0 =	sadd.s32 $0x8F2B, s0  }
0xc2: {  	[sflag:s0] =	ssyncadd.remote.s32 $0x1  }
0xc3: {  	_ =	sfence.sel $0xFFFF  }
0xc4: {  	[dreg:$0x0] =	wrdreg $0xFFFFFFFF;
	(pc) =	sbr.abs _section_cstart, $3  }
0xc5: {  	[dreg:$0x1] =	wrdreg $0xFFFFFFFF  }
0xc6: {  	_ =	task.clear_ibuf [dreg:s10], $0x2FFFF;
	_ =	strace $0x9FFFFFFF  }
0xc7: {  	(tm) =	ssettm $0x7FFFFFFF  }
tec
execute0_lowered:
.L_overlay_start_1:
0x0: {  	(tag) =	ssettag $0x1  }
0x1: {  	s4 =	rddreg [dreg:$0x0]  }
0x2: {  	s5 =	rddreg [dreg:$0x1]  }
0x3: {  	s1 =	rddreg [dreg:$0x2]  }
0x4: {  	s6 =	rddreg [dreg:$0x3];
	s2 =	srdreg.scid  }
0x5: {  	s0 =	rddreg [dreg:$0x4];
	s3 =	simm.s32 $0x0;
	s11 =	simm.s32 $0x2  }
0x6: {  	s12 =	simm.s32 $0x0;
	s7 =	sand.u32 $0x1, s2;
	s2 =	stileid.u32  }
0x7: {  	[smem:$0x7FF] =	sst s3;
	s8 =	ssub.s32 $0x2, s7;
	s10 =	sshll.u32 s2, $0x7  }
0x8: {  	s7 =	sshll.u32 s7, $0x6;
	_ =	strace $0x80000047;
	s9 =	sshrl.u32 s8, $0x1  }
0x9: {  	s7 =	sor.u32 s7, s10;
	s10 =	simm.s32 $0x2400;
	s8 =	ssub.s32 s8, s9  }
0xa: {  	v1 =	vlaneseq.u32;
	s4 =	sadd.s32 s4, s7;
	s5 =	sadd.s32 s5, s7;
	s6 =	sadd.s32 s6, s7  }
0xb: {  	v0 =	vimm.s32 $0x0;
	v1 =	vmul.u32 $0x10, v1;
	s9 =	simm.s32 $0x400;
	s7 =	smax.u32 s8, $0x1;
	s8 =	simm.s32 $0x1  }
.LBB2_1:
0xc: {  	[tilespmem:s3], [sflag:$0x1] =	stream.linear.gather [hbm4b:s4+s3], $0x200, $0x38;
	[tilespmem:$0x2600] =	vst v63  }
0xd: {  	s13 =	simm.s32 $0x200  }
0xe: {  	[tilespmem:s13], [sflag:$0x1] =	stream.linear.gather [hbm4b:s5+s3], $0x200, $0x38;
	[tilespmem:$0x2600] =	vst v63  }
0xf: {  	_ =	swait.ge [sflag:s8], $0x200  }
0x10: {  	[sflag:s8] =	ssyncset.done $0x0  }
0x11: {  	[sflag:s8] =	ssyncadd.s32 $0xFFFFFE00  }
0x12: {  	_ =	swait.ge [sflag:s8], $0x200  }
0x13: {  	[sflag:s8] =	ssyncset.done $0x0  }
0x14: {  	s14 =	simm.s32 $0x0;
	s15 =	simm.s32 $0x0;
	[sflag:s8] =	ssyncadd.s32 $0xFFFFFE00  }
.LBB2_2:
0x15: {  	v3 =	vld [tilespmem:s14+$0x0];
	_ =	sdelay $0x3  }
0x16: {  	v2 =	vld [tilespmem:s13+$0x0]  }
0x17: {  	v4 =	vshra.s32 v3, $0x1F;
	v5 =	vand.u32 $0xF, v3  }
0x18: {  	vm1 =	vlt.s32 v3, $0x1;
	vm0 =	vne.s32 v5, $0x0;
	v4 =	vshrl.u32 v4, $0x1C  }
0x19: {  	v3 =	vadd.s32 v4, v3;
	vm0 =	vmand vm1, vm0  }
0x1a: {  	v3 =	vshra.s32 v3, $0x4;
	v63 =	vsel vm0, $0xFFFFFFFF, v0  }
0x1b: {  	(v2sf) =	vpush v2, $0x0;
	v3 =	vadd.s32 v63, v3  }
0x1c: {  	(v2sf) =	vpush v3, $0x0;
	_ =	sdelay $0x3  }
0x1d: {  	(v2sf) =	vpush v2, $0x1  }
0x1e: {  	(v2sf) =	vpush v3, $0x1;
	_ =	sdelay $0x8  }
0x1f: {  	s16 =	spop (v2sf);
	(v2sf) =	vpush v2, $0x2  }
0x20: {  	s17 =	sshrl.u32 s16, $0x3;
	s18 =	spop (v2sf)  }
0x21: {  	s17 =	smul.u32 $0x7A1400, s17;
	(v2sf) =	vpush v3, $0x2;
	s19 =	sshll.u32 s18, $0x7  }
0x22: {  	s16 =	sshll.u32 s16, $0x7;
	s19 =	sand.u32 $0xFFFFFC00, s19  }
0x23: {  	s16 =	sand.u32 $0x380, s16;
	s18 =	sshll.u32 s18, $0x4;
	s17 =	sadd.s32 s17, s19  }
0x24: {  	s26 =	spop (v2sf);
	s24 =	sand.u32 $0x70, s18;
	s16 =	sor.u32 s16, s17  }
0x25: {  	s28 =	sshrl.u32 s26, $0x3;
	s29 =	spop (v2sf);
	s17 =	sor.u32 s24, s16  }
0x26: {  	(v2sf) =	vpush v2, $0x3;
	s18 =	smul.u32 $0x7A1400, s28;
	s16 =	sshra.s32 s15, $0x2;
	s17 =	sshrl.u32 s17, $0x3  }
0x27: {  	(v2sf) =	vpush v3, $0x3;
	s20 =	sshll.u32 s29, $0x7;
	s25 =	sadd.s32 $0x400, s16;
	s17 =	sadd.s32 s1, s17  }
0x28: {  	[tilespmem:s25], [sflag:$0x1] =	stream.linear.gather [hbm4b:s17+s3], $0x10, $0x38;
	[tilespmem:$0x2600] =	vst v63  }
0x29: {  	s20 =	sand.u32 $0xFFFFFC00, s20;
	s17 =	sshll.u32 s26, $0x7  }
0x2a: {  	s19 =	sshll.u32 s29, $0x4;
	s18 =	sadd.s32 s18, s20;
	s17 =	sand.u32 $0x380, s17  }
0x2b: {  	s30 =	sand.u32 $0x70, s19;
	s17 =	sor.u32 s17, s18  }
0x2c: {  	s17 =	sor.u32 s30, s17  }
0x2d: {  	s17 =	sshrl.u32 s17, $0x3  }
0x2e: {  	s31 =	sadd.s32 $0x410, s16;
	s19 =	spop (v2sf);
	s17 =	sadd.s32 s1, s17  }
0x2f: {  	(v2sf) =	vpush v2, $0x4;
	[tilespmem:s31], [sflag:$0x1] =	stream.linear.gather [hbm4b:s17+s3], $0x10, $0x38;
	[tilespmem:$0x2600] =	vst v63  }
0x30: {  	s20 =	sshrl.u32 s19, $0x3;
	s21 =	spop (v2sf)  }
0x31: {  	s18 =	smul.u32 $0x7A1400, s20;
	(v2sf) =	vpush v3, $0x4;
	s22 =	sshll.u32 s21, $0x7  }
0x32: {  	s17 =	sshll.u32 s19, $0x7;
	s20 =	sand.u32 $0xFFFFFC00, s22  }
0x33: {  	s17 =	sand.u32 $0x380, s17;
	s19 =	sshll.u32 s21, $0x4;
	s18 =	sadd.s32 s18, s20  }
0x34: {  	s23 =	sand.u32 $0x70, s19;
	s17 =	sor.u32 s17, s18  }
0x35: {  	s24 =	sadd.s32 $0x420, s16;
	s25 =	spop (v2sf);
	s17 =	sor.u32 s23, s17  }
0x36: {  	(v2sf) =	vpush v2, $0x5;
	s26 =	sshrl.u32 s25, $0x3;
	s28 =	spop (v2sf);
	s17 =	sshrl.u32 s17, $0x3  }
0x37: {  	(v2sf) =	vpush v3, $0x5;
	s29 =	sshll.u32 s28, $0x7;
	s18 =	smul.u32 $0x7A1400, s26;
	s17 =	sadd.s32 s1, s17  }
0x38: {  	[tilespmem:s24], [sflag:$0x1] =	stream.linear.gather [hbm4b:s17+s3], $0x10, $0x38;
	[tilespmem:$0x2600] =	vst v63  }
0x39: {  	s20 =	sand.u32 $0xFFFFFC00, s29;
	s17 =	sshll.u32 s25, $0x7  }
0x3a: {  	s19 =	sshll.u32 s28, $0x4;
	s18 =	sadd.s32 s18, s20;
	s17 =	sand.u32 $0x380, s17  }
0x3b: {  	s30 =	sand.u32 $0x70, s19;
	s17 =	sor.u32 s17, s18  }
0x3c: {  	s17 =	sor.u32 s30, s17  }
0x3d: {  	s17 =	sshrl.u32 s17, $0x3  }
0x3e: {  	s31 =	sadd.s32 $0x430, s16;
	s19 =	spop (v2sf);
	s17 =	sadd.s32 s1, s17  }
0x3f: {  	(v2sf) =	vpush v2, $0x6;
	[tilespmem:s31], [sflag:$0x1] =	stream.linear.gather [hbm4b:s17+s3], $0x10, $0x38;
	[tilespmem:$0x2600] =	vst v63  }
0x40: {  	s20 =	sshrl.u32 s19, $0x3;
	s21 =	spop (v2sf)  }
0x41: {  	s18 =	smul.u32 $0x7A1400, s20;
	(v2sf) =	vpush v3, $0x6;
	s22 =	sshll.u32 s21, $0x7  }
0x42: {  	s17 =	sshll.u32 s19, $0x7;
	s20 =	sand.u32 $0xFFFFFC00, s22  }
0x43: {  	s17 =	sand.u32 $0x380, s17;
	s19 =	sshll.u32 s21, $0x4;
	s18 =	sadd.s32 s18, s20  }
0x44: {  	s23 =	sand.u32 $0x70, s19;
	s17 =	sor.u32 s17, s18  }
0x45: {  	s24 =	sadd.s32 $0x440, s16;
	s25 =	spop (v2sf);
	s17 =	sor.u32 s23, s17  }
0x46: {  	(v2sf) =	vpush v2, $0x7;
	s26 =	sshrl.u32 s25, $0x3;
	s28 =	spop (v2sf);
	s17 =	sshrl.u32 s17, $0x3  }
0x47: {  	(v2sf) =	vpush v3, $0x7;
	s29 =	sshll.u32 s28, $0x7;
	s18 =	smul.u32 $0x7A1400, s26;
	s17 =	sadd.s32 s1, s17  }
0x48: {  	[tilespmem:s24], [sflag:$0x1] =	stream.linear.gather [hbm4b:s17+s3], $0x10, $0x38;
	[tilespmem:$0x2600] =	vst v63  }
0x49: {  	s20 =	sand.u32 $0xFFFFFC00, s29;
	s17 =	sshll.u32 s25, $0x7  }
0x4a: {  	s19 =	sshll.u32 s28, $0x4;
	s18 =	sadd.s32 s18, s20;
	s17 =	sand.u32 $0x380, s17  }
0x4b: {  	s30 =	sand.u32 $0x70, s19;
	s17 =	sor.u32 s17, s18  }
0x4c: {  	s17 =	sor.u32 s30, s17  }
0x4d: {  	s17 =	sshrl.u32 s17, $0x3  }
0x4e: {  	s31 =	sadd.s32 $0x450, s16;
	s19 =	spop (v2sf);
	s17 =	sadd.s32 s1, s17  }
0x4f: {  	(v2sf) =	vpush v2, $0x8;
	[tilespmem:s31], [sflag:$0x1] =	stream.linear.gather [hbm4b:s17+s3], $0x10, $0x38;
	[tilespmem:$0x2600] =	vst v63  }
0x50: {  	s20 =	sshrl.u32 s19, $0x3;
	s21 =	spop (v2sf)  }
0x51: {  	s18 =	smul.u32 $0x7A1400, s20;
	(v2sf) =	vpush v3, $0x8;
	s22 =	sshll.u32 s21, $0x7  }
0x52: {  	s17 =	sshll.u32 s19, $0x7;
	s20 =	sand.u32 $0xFFFFFC00, s22  }
0x53: {  	s17 =	sand.u32 $0x380, s17;
	s19 =	sshll.u32 s21, $0x4;
	s18 =	sadd.s32 s18, s20  }
0x54: {  	s23 =	sand.u32 $0x70, s19;
	s17 =	sor.u32 s17, s18  }
0x55: {  	s24 =	sadd.s32 $0x460, s16;
	s25 =	spop (v2sf);
	s17 =	sor.u32 s23, s17  }
0x56: {  	(v2sf) =	vpush v2, $0x9;
	s26 =	sshrl.u32 s25, $0x3;
	s28 =	spop (v2sf);
	s17 =	sshrl.u32 s17, $0x3  }
0x57: {  	(v2sf) =	vpush v3, $0x9;
	s29 =	sshll.u32 s28, $0x7;
	s18 =	smul.u32 $0x7A1400, s26;
	s17 =	sadd.s32 s1, s17  }
0x58: {  	[tilespmem:s24], [sflag:$0x1] =	stream.linear.gather [hbm4b:s17+s3], $0x10, $0x38;
	[tilespmem:$0x2600] =	vst v63  }
0x59: {  	s20 =	sand.u32 $0xFFFFFC00, s29;
	s17 =	sshll.u32 s25, $0x7  }
0x5a: {  	s19 =	sshll.u32 s28, $0x4;
	s18 =	sadd.s32 s18, s20;
	s17 =	sand.u32 $0x380, s17  }
0x5b: {  	s30 =	sand.u32 $0x70, s19;
	s17 =	sor.u32 s17, s18  }
0x5c: {  	s17 =	sor.u32 s30, s17  }
0x5d: {  	s17 =	sshrl.u32 s17, $0x3  }
0x5e: {  	s31 =	sadd.s32 $0x470, s16;
	s19 =	spop (v2sf);
	s17 =	sadd.s32 s1, s17  }
0x5f: {  	(v2sf) =	vpush v2, $0xA;
	[tilespmem:s31], [sflag:$0x1] =	stream.linear.gather [hbm4b:s17+s3], $0x10, $0x38;
	[tilespmem:$0x2600] =	vst v63  }
0x60: {  	s20 =	sshrl.u32 s19, $0x3;
	s21 =	spop (v2sf)  }
0x61: {  	s18 =	smul.u32 $0x7A1400, s20;
	(v2sf) =	vpush v3, $0xA;
	s22 =	sshll.u32 s21, $0x7  }
0x62: {  	s17 =	sshll.u32 s19, $0x7;
	s20 =	sand.u32 $0xFFFFFC00, s22  }
0x63: {  	s17 =	sand.u32 $0x380, s17;
	s19 =	sshll.u32 s21, $0x4;
	s18 =	sadd.s32 s18, s20  }
0x64: {  	s23 =	sand.u32 $0x70, s19;
	s17 =	sor.u32 s17, s18  }
0x65: {  	s24 =	sadd.s32 $0x480, s16;
	s25 =	spop (v2sf);
	s17 =	sor.u32 s23, s17  }
0x66: {  	(v2sf) =	vpush v2, $0xB;
	s26 =	sshrl.u32 s25, $0x3;
	s28 =	spop (v2sf);
	s17 =	sshrl.u32 s17, $0x3  }
0x67: {  	(v2sf) =	vpush v3, $0xB;
	s29 =	sshll.u32 s28, $0x7;
	s18 =	smul.u32 $0x7A1400, s26;
	s17 =	sadd.s32 s1, s17  }
0x68: {  	[tilespmem:s24], [sflag:$0x1] =	stream.linear.gather [hbm4b:s17+s3], $0x10, $0x38;
	[tilespmem:$0x2600] =	vst v63  }
0x69: {  	s20 =	sand.u32 $0xFFFFFC00, s29;
	s17 =	sshll.u32 s25, $0x7  }
0x6a: {  	s19 =	sshll.u32 s28, $0x4;
	s18 =	sadd.s32 s18, s20;
	s17 =	sand.u32 $0x380, s17  }
0x6b: {  	s30 =	sand.u32 $0x70, s19;
	s17 =	sor.u32 s17, s18  }
0x6c: {  	s17 =	sor.u32 s30, s17  }
0x6d: {  	s17 =	sshrl.u32 s17, $0x3  }
0x6e: {  	s31 =	sadd.s32 $0x490, s16;
	s19 =	spop (v2sf);
	s17 =	sadd.s32 s1, s17  }
0x6f: {  	(v2sf) =	vpush v2, $0xC;
	[tilespmem:s31], [sflag:$0x1] =	stream.linear.gather [hbm4b:s17+s3], $0x10, $0x38;
	[tilespmem:$0x2600] =	vst v63  }
0x70: {  	s20 =	sshrl.u32 s19, $0x3;
	s21 =	spop (v2sf)  }
0x71: {  	s18 =	smul.u32 $0x7A1400, s20;
	(v2sf) =	vpush v3, $0xC;
	s22 =	sshll.u32 s21, $0x7  }
0x72: {  	s17 =	sshll.u32 s19, $0x7;
	s20 =	sand.u32 $0xFFFFFC00, s22  }
0x73: {  	s17 =	sand.u32 $0x380, s17;
	s19 =	sshll.u32 s21, $0x4;
	s18 =	sadd.s32 s18, s20  }
0x74: {  	s23 =	sand.u32 $0x70, s19;
	s17 =	sor.u32 s17, s18  }
0x75: {  	s24 =	sadd.s32 $0x4A0, s16;
	s25 =	spop (v2sf);
	s17 =	sor.u32 s23, s17  }
0x76: {  	(v2sf) =	vpush v2, $0xD;
	s26 =	sshrl.u32 s25, $0x3;
	s28 =	spop (v2sf);
	s17 =	sshrl.u32 s17, $0x3  }
0x77: {  	(v2sf) =	vpush v3, $0xD;
	s29 =	sshll.u32 s28, $0x7;
	s18 =	smul.u32 $0x7A1400, s26;
	s17 =	sadd.s32 s1, s17  }
0x78: {  	[tilespmem:s24], [sflag:$0x1] =	stream.linear.gather [hbm4b:s17+s3], $0x10, $0x38;
	[tilespmem:$0x2600] =	vst v63  }
0x79: {  	s20 =	sand.u32 $0xFFFFFC00, s29;
	s17 =	sshll.u32 s25, $0x7  }
0x7a: {  	s19 =	sshll.u32 s28, $0x4;
	s18 =	sadd.s32 s18, s20;
	s17 =	sand.u32 $0x380, s17  }
0x7b: {  	s30 =	sand.u32 $0x70, s19;
	s17 =	sor.u32 s17, s18  }
0x7c: {  	s17 =	sor.u32 s30, s17  }
0x7d: {  	s17 =	sshrl.u32 s17, $0x3  }
0x7e: {  	s31 =	sadd.s32 $0x4B0, s16;
	s19 =	spop (v2sf);
	s17 =	sadd.s32 s1, s17  }
0x7f: {  	(v2sf) =	vpush v2, $0xE;
	[tilespmem:s31], [sflag:$0x1] =	stream.linear.gather [hbm4b:s17+s3], $0x10, $0x38;
	[tilespmem:$0x2600] =	vst v63  }
0x80: {  	s20 =	sshrl.u32 s19, $0x3;
	s21 =	spop (v2sf)  }
0x81: {  	s18 =	smul.u32 $0x7A1400, s20;
	(v2sf) =	vpush v3, $0xE;
	s22 =	sshll.u32 s21, $0x7  }
0x82: {  	s17 =	sshll.u32 s19, $0x7;
	s20 =	sand.u32 $0xFFFFFC00, s22  }
0x83: {  	s17 =	sand.u32 $0x380, s17;
	s19 =	sshll.u32 s21, $0x4;
	s18 =	sadd.s32 s18, s20  }
0x84: {  	s23 =	sand.u32 $0x70, s19;
	s17 =	sor.u32 s17, s18  }
0x85: {  	s24 =	sadd.s32 $0x4C0, s16;
	s25 =	spop (v2sf);
	s17 =	sor.u32 s23, s17  }
0x86: {  	s26 =	sshrl.u32 s25, $0x3;
	s28 =	spop (v2sf);
	s17 =	sshrl.u32 s17, $0x3  }
0x87: {  	(v2sf) =	vpush v2, $0xF;
	s29 =	sshll.u32 s28, $0x7;
	s18 =	smul.u32 $0x7A1400, s26;
	s17 =	sadd.s32 s1, s17  }
0x88: {  	(v2sf) =	vpush v3, $0xF;
	[tilespmem:s24], [sflag:$0x1] =	stream.linear.gather [hbm4b:s17+s3], $0x10, $0x38;
	[tilespmem:$0x2600] =	vst v63  }
0x89: {  	s20 =	sand.u32 $0xFFFFFC00, s29;
	s17 =	sshll.u32 s25, $0x7  }
0x8a: {  	s19 =	sshll.u32 s28, $0x4;
	s18 =	sadd.s32 s18, s20;
	s17 =	sand.u32 $0x380, s17  }
0x8b: {  	s30 =	sand.u32 $0x70, s19;
	s17 =	sor.u32 s17, s18  }
0x8c: {  	s17 =	sor.u32 s30, s17  }
0x8d: {  	s17 =	sshrl.u32 s17, $0x3  }
0x8e: {  	s21 =	sadd.s32 $0x4D0, s16;
	s31 =	spop (v2sf);
	s17 =	sadd.s32 s1, s17  }
0x8f: {  	[tilespmem:s21], [sflag:$0x1] =	stream.linear.gather [hbm4b:s17+s3], $0x10, $0x38;
	[tilespmem:$0x2600] =	vst v63  }
0x90: {  	s23 =	sshrl.u32 s31, $0x3;
	s22 =	spop (v2sf)  }
0x91: {  	s19 =	smul.u32 $0x7A1400, s23;
	s24 =	sshll.u32 s22, $0x7  }
0x92: {  	s18 =	sshll.u32 s31, $0x7;
	s20 =	sand.u32 $0xFFFFFC00, s24  }
0x93: {  	s18 =	sand.u32 $0x380, s18;
	s17 =	sshll.u32 s22, $0x4;
	s19 =	sadd.s32 s19, s20  }
0x94: {  	s17 =	sand.u32 $0x70, s17;
	s18 =	sor.u32 s18, s19  }
0x95: {  	s17 =	sor.u32 s17, s18  }
0x96: {  	s26 =	sadd.s32 $0x4E0, s16;
	s25 =	spop (v2sf);
	s17 =	sshrl.u32 s17, $0x3  }
0x97: {  	s28 =	sshrl.u32 s25, $0x3;
	s29 =	spop (v2sf);
	s17 =	sadd.s32 s1, s17  }
0x98: {  	[tilespmem:s26], [sflag:$0x1] =	stream.linear.gather [hbm4b:s17+s3], $0x10, $0x38;
	[tilespmem:$0x2600] =	vst v63  }
0x99: {  	s30 =	sshll.u32 s29, $0x7;
	s17 =	smul.u32 $0x7A1400, s28  }
0x9a: {  	p0 =	sne.s32 s15, $0x7C00;
	s20 =	sand.u32 $0xFFFFFC00, s30;
	s18 =	sshll.u32 s25, $0x7  }
0x9b: {  	s19 =	sshll.u32 s29, $0x4;
	s18 =	sand.u32 $0x380, s18;
	s17 =	sadd.s32 s17, s20  }
.Ltmp0:
0x9c: {  	s31 =	sand.u32 $0x70, s19;
	s17 =	sor.u32 s18, s17;
	(pc) =	sbr.rel @p0 .LBB2_2-.Ltmp0, $4  }
0x9d: {  	s17 =	sor.u32 s31, s17  }
0x9e: {  	s14 =	sadd.s32 $0x10, s14;
	s13 =	sadd.s32 $0x10, s13;
	s17 =	sshrl.u32 s17, $0x3  }
0x9f: {  	s15 =	sadd.s32 $0x400, s15;
	s16 =	sadd.s32 $0x4F0, s16;
	s17 =	sadd.s32 s1, s17  }
0xa0: {  	[tilespmem:s16], [sflag:$0x1] =	stream.linear.gather [hbm4b:s17+s3], $0x10, $0x38;
	[tilespmem:$0x2600] =	vst v63  }
0xa1: {  	_ =	swait.ge [sflag:s8], $0x2000  }
0xa2: {  	[sflag:s8] =	ssyncset.done $0x0  }
0xa3: {  	s13 =	simm.s32 $0x0;
	[sflag:s8] =	ssyncadd.s32 $0xFFFFE000  }
0xa4: {  	v2 =	vld [tilespmem:s13+$0x0];
	_ =	sdelay $0x2  }
0xa5: {  	v3 =	vmov s13  }
0xa6: {  	v3 =	vshll.u32 v3, $0x4  }
0xa7: {  	v3 =	vor.u32 v1, v3;
	v2 =	vand.u32 $0xF, v2  }
0xa8: {  	v2 =	vor.u32 v3, v2;
	_ =	sdelay $0x4  }
0xa9: {  	v2 =	vld.idx.msk [tilespmem:v2+s9+$0x0], $0xffff;
	_ =	sdelay $0x3  }
0xaa: {  	s13 =	simm.s32 $0x2400  }
0xab: {  	s14 =	simm.s32 $0x10;
	[tilespmem:s13+$0x0] =	vst v2  }
0xac: {  	s15 =	simm.s32 $0x20;
	s16 =	simm.s32 $0x10;
	v2 =	vld [tilespmem:s14+$0x0]  }
.LBB2_4:
0xad: {  	p0 =	sne.s32 s15, $0x1F0;
	_ =	sdelay $0x1  }
0xae: {  	v3 =	vmov s14;
	s14 =	smov.u32 s15  }
0xaf: {  	v3 =	vshll.u32 v3, $0x4  }
0xb0: {  	v3 =	vor.u32 v1, v3;
	v2 =	vand.u32 $0xF, v2  }
0xb1: {  	v2 =	vor.u32 v3, v2;
	_ =	sdelay $0x4  }
0xb2: {  	v2 =	vld.idx.msk [tilespmem:v2+s9+$0x0], $0xffff;
	_ =	sdelay $0x2  }
.Ltmp1:
0xb3: {  	(pc) =	sbr.rel @p0 .LBB2_4-.Ltmp1, $4  }
0xb4: {  	_ = 	snop  }
0xb5: {  	s13 =	sadd.s32 $0x10, s13  }
0xb6: {  	s16 =	sadd.s32 $0x10, s16;
	[tilespmem:s13+$0x0] =	vst v2  }
0xb7: {  	s15 =	sadd.s32 $0x10, s15;
	v2 =	vld [tilespmem:s16+$0x0]  }
0xb8: {  	_ =	sdelay $0x1  }
0xb9: {  	v3 =	vmov s14  }
0xba: {  	v3 =	vshll.u32 v3, $0x4  }
0xbb: {  	v3 =	vor.u32 v1, v3;
	v2 =	vand.u32 $0xF, v2  }
0xbc: {  	v2 =	vor.u32 v3, v2;
	_ =	sdelay $0x4  }
0xbd: {  	v2 =	vld.idx.msk [tilespmem:v2+s9+$0x0], $0xffff;
	_ =	sdelay $0x2  }
0xbe: {  	s12 =	sadd.s32 $0x1, s12  }
0xbf: {  	s13 =	sadd.s32 $0x10, s13;
	p0 =	sne.s32 s12, s7  }
.Ltmp2:
0xc0: {  	[tilespmem:s13+$0x0] =	vst v2;
	(pc) =	sbr.rel @p0 .LBB2_1-.Ltmp2, $4  }
0xc1: {  	[hbm4b:s6+s3] =	stream.linear.scatter [tilespmem:s10], [sflag:$0x2], $0x200, $0x38;
	[tilespmem:$0x2600] =	vst v63  }
0xc2: {  	_ =	swait.ge [sflag:s11], $0x200  }
0xc3: {  	[sflag:s11] =	ssyncset.done $0x0  }
0xc4: {  	[sflag:s11] =	ssyncadd.s32 $0xFFFFFE00  }
0xc5: {  	_ =	sfence.sel $0x180000  }
0xc6: {  	[bflag:$0x0] =	sbarrier.arrive $0xFFFF  }
0xc7: {  	p0 =	sne.s32 s2, $0x0;
	_ =	strace $0x90000047  }
0xc8: {  	s0 =	sadd.s32 @!p0 $0x100000, s0;
	[bflag:$0x2] =	sbarrier.arrive $0xFFFF  }
0xc9: {  	[sflag:s0] =	ssyncadd.tile.s32 @!p0 $0x1;
	_ =	shalt  }
.Lfunc_end2:
_tile_overlayer_lowered:
.L_overlay_start_2:
0xca: {  	(tag) =	ssettag $0x2  }
0xcb: {  	s0 =	rddreg [dreg:$0x0];
	s2 =	stileid.u32  }
0xcc: {  	s1 =	rddreg [dreg:$0x1];
	p0 =	sne.s32 s2, $0x0  }
0xcd: {  	s3 =	rddreg [dreg:$0x2];
	[bflag:$0x3] =	sbarrier.arrive $0xFFFF;
	s2 =	simm.s32 @!p0 $0x1C02  }
0xce: {  	[timem:s3], [sflag:s2] =	dma.local @!p0 [hbm:s0], s1  }
0xcf: {  	s0 =	simm.s32 @!p0 $0x2  }
0xd0: {  	_ =	swait.ge @!p0 [sflag:s0], s1  }
0xd1: {  	s1 =	ssub.s32 @!p0 $0x0, s1;
	[sflag:s0] =	ssyncset.done @!p0 $0x0  }
0xd2: {  	[sflag:s0] =	ssyncadd.s32 @!p0 s1  }
0xd3: {  	[bflag:$0x3] =	sbarrier.arrive $0xFFFF  }
0xd4: {  	_ =	shalt  }

</sc_bundles>
